<compile_context>
chip_gen: v7x
topology: tpu7x:2x2x1
jax: 0.10.2.dev20260603
libtpu: 0.0.44.dev20260713+nightly
codegen_flags: <defaults>
</compile_context>

<pallas_src>
import functools

import jax
import jax.numpy as jnp
from jax import lax
from jax.experimental import pallas as pl
from jax.experimental.pallas import tpu as pltpu
from jax.experimental.pallas import tpu_sc as plsc

N = 10000
T = 8
F = 128
E = 320000
D = 128
H = 8
DH = 16

NC = 2
NS = 16
EDGES_PER_TILE = E // (NC * NS)
C = 160
CC = 400
TGT = 2048
TPT = TGT // NS
GARB = TGT
SLOTS = TGT + 16
SROWS = SLOTS // NS
CBUF = EDGES_PER_TILE + 2 * C + 16

BLK1 = 2000
BLK3 = 256


def _prep_body(x_ref, w_ref, a_ref, h_ref, as_ref, ad_ref, maxa_ref):
    b = pl.program_id(0)
    hb = jnp.dot(x_ref[...], w_ref[...], preferred_element_type=jnp.float32)
    ab = jnp.dot(hb, a_ref[...], preferred_element_type=jnp.float32)
    h_ref[...] = hb
    as_ref[...] = ab[:, 0:16]
    ad_ref[...] = ab[:, 16:32]
    lane = lax.broadcasted_iota(jnp.int32, (1, 128), 1)
    colmax = jnp.max(ab, axis=0, keepdims=True)
    m = jnp.where(lane < 16, colmax, 0.0)

    @pl.when(b == 0)
    def _():
        maxa_ref[...] = m

    @pl.when(b != 0)
    def _():
        maxa_ref[...] = jnp.maximum(maxa_ref[...], m)


def _prep_call(x2, W_s, A128):
    nblk = (T * N) // BLK1
    return pl.pallas_call(
        _prep_body,
        grid=(nblk,),
        in_specs=[
            pl.BlockSpec((BLK1, F), lambda b: (b, 0)),
            pl.BlockSpec((F, D), lambda b: (0, 0)),
            pl.BlockSpec((D, 128), lambda b: (0, 0)),
        ],
        out_specs=[
            pl.BlockSpec((BLK1, D), lambda b: (b, 0)),
            pl.BlockSpec((BLK1, 16), lambda b: (b, 0)),
            pl.BlockSpec((BLK1, 16), lambda b: (b, 0)),
            pl.BlockSpec((1, 128), lambda b: (0, 0)),
        ],
        out_shape=[
            jax.ShapeDtypeStruct((T * N, D), jnp.float32),
            jax.ShapeDtypeStruct((T * N, 16), jnp.float32),
            jax.ShapeDtypeStruct((T * N, 16), jnp.float32),
            jax.ShapeDtypeStruct((1, 128), jnp.float32),
        ],
    )(x2, W_s, A128)


def _edge_body(src_hbm, dst_hbm, as_hbm, ad_hbm, h_hbm, maxa_hbm, tgt_hbm,
               num0, num1, den0, den1,
               acc_num, acc_den,
               smap, tgt_all, csrc, cdst, cslot, in_s, in_d,
               idx_so_a, idx_do_a, slot_a, arow_s_a, arow_d_a, hrow_a, exb_a,
               m_buf, znum, zden, rep, gnum, gden, sem_a):
    sem_e = sem_a
    cid = lax.axis_index("c")
    sid = lax.axis_index("s")
    tile_base = (cid * NS + sid) * EDGES_PER_TILE

    sets = ((idx_so_a, idx_do_a, slot_a, arow_s_a, arow_d_a, hrow_a, exb_a,
             sem_a),)

    pltpu.sync_copy(maxa_hbm, m_buf)
    mvec = m_buf[0, pl.ds(0, 16)]

    pltpu.sync_copy(tgt_hbm, tgt_all)

    garb16 = jnp.full((16,), GARB, jnp.int32)
    z16i = jnp.zeros((16,), jnp.int32)
    z16 = jnp.zeros((16,), jnp.float32)
    lane16 = lax.iota(jnp.int32, 16)

    def zrow(i, _):
        for j in range(D // 16):
            znum[i, pl.ds(16 * j, 16)] = z16
        zden[i, pl.ds(0, 16)] = z16
        return 0

    lax.fori_loop(0, SROWS, zrow, 0)

    def fillg(i, _):
        smap[pl.ds(16 * i, 16)] = garb16
        return 0

    lax.fori_loop(0, N // 16, fillg, 0)

    def scat(i, _):
        tvec = tgt_all[pl.ds(16 * i, 16)]
        plsc.store_scatter(smap, [tvec], lane16 + 16 * i)
        return 0

    lax.fori_loop(0, TGT // 16, scat, 0)

    for i in range(TPT // 16):
        tvec = tgt_all[pl.ds(sid * TPT + 16 * i, 16)]
        rep[pl.ds(16 * i, 16)] = plsc.load_gather(smap, [tvec])

    def comp_chunk(k, wpos):
        pltpu.sync_copy(src_hbm.at[pl.ds(tile_base + k * CC, CC)], in_s)
        pltpu.sync_copy(dst_hbm.at[pl.ds(tile_base + k * CC, CC)], in_d)

        def inner(i, w):
            svec = in_s[pl.ds(16 * i, 16)]
            dvec = in_d[pl.ds(16 * i, 16)]
            sl = plsc.load_gather(smap, [dvec])
            mask = sl < GARB
            plsc.store_compressed(csrc.at[pl.ds(w, 16)], svec, mask=mask)
            plsc.store_compressed(cdst.at[pl.ds(w, 16)], dvec, mask=mask)
            plsc.store_compressed(cslot.at[pl.ds(w, 16)], sl, mask=mask)
            cnt = plsc.all_reduce_population_count(mask)
            return w + cnt[0]

        return lax.fori_loop(0, CC // 16, inner, wpos)

    wpos = lax.fori_loop(0, EDGES_PER_TILE // CC, comp_chunk, 0)

    nch = (wpos + C - 1) // C
    npad16 = (nch * C - wpos + 15) // 16

    garb_tile = jnp.full((16,), GARB, jnp.int32) + sid

    def padf(j, _):
        base = wpos + 16 * j
        csrc[pl.ds(base, 16)] = z16i
        cdst[pl.ds(base, 16)] = z16i
        cslot[pl.ds(base, 16)] = garb_tile
        return 0

    lax.fori_loop(0, npad16, padf, 0)

    def t_body(t, _):
        off = sid * SROWS
        pltpu.sync_copy(znum, acc_num.at[pl.ds(off, SROWS), :])
        pltpu.sync_copy(zden, acc_den.at[pl.ds(off, SROWS), :])
        plsc.subcore_barrier()

        tN = t * N

        def fire(k, s):
            idx_so, idx_do, slot_c, arow_s, arow_d, hrow, exb, sem = sets[s]
            base = k * C

            def offs(i, _):
                idx_so[pl.ds(16 * i, 16)] = csrc[pl.ds(base + 16 * i, 16)] + tN
                idx_do[pl.ds(16 * i, 16)] = cdst[pl.ds(base + 16 * i, 16)] + tN
                slot_c[pl.ds(16 * i, 16)] = cslot[pl.ds(base + 16 * i, 16)]
                return 0

            lax.fori_loop(0, C // 16, offs, 0)
            pltpu.async_copy(as_hbm.at[idx_so], arow_s, sem)
            pltpu.async_copy(ad_hbm.at[idx_do], arow_d, sem)
            pltpu.async_copy(h_hbm.at[idx_so], hrow, sem)

        def finish(s):
            idx_so, idx_do, slot_c, arow_s, arow_d, hrow, exb, sem = sets[s]
            pltpu.make_async_copy(as_hbm.at[idx_so], arow_s, sem).wait()
            pltpu.make_async_copy(ad_hbm.at[idx_do], arow_d, sem).wait()
            pltpu.make_async_copy(h_hbm.at[idx_so], hrow, sem).wait()

            def edge_body(i, _):
                sv = arow_s[i, :]
                dv = arow_d[i, :]
                z = sv + dv
                lr = jnp.maximum(z, 0.2 * z)
                zm = mvec + dv
                lrm = jnp.maximum(zm, 0.2 * zm)
                ex = jnp.exp(lr - lrm)
                exb[i, :] = ex
                for hh in range(H):
                    sc = ex[hh]
                    hv = hrow[i, pl.ds(16 * hh, 16)]
                    hrow[i, pl.ds(16 * hh, 16)] = sc * hv
                return 0

            lax.fori_loop(0, C, edge_body, 0)

            pltpu.sync_copy(hrow, acc_num.at[slot_c], add=True)
            pltpu.sync_copy(exb, acc_den.at[slot_c], add=True)

        def body1(k, _):
            fire(k, 0)
            finish(0)
            return 0

        lax.fori_loop(0, nch, body1, 0)
        plsc.subcore_barrier()

        cpn = pltpu.async_copy(acc_num.at[rep], gnum, sem_e)
        cpd = pltpu.async_copy(acc_den.at[rep], gden, sem_e)
        cpn.wait()
        cpd.wait()
        obase = t * TGT + sid * TPT

        @pl.when(cid == 0)
        def _():
            pltpu.sync_copy(gnum, num0.at[pl.ds(obase, TPT), :])
            pltpu.sync_copy(gden, den0.at[pl.ds(obase, TPT), :])

        @pl.when(cid == 1)
        def _():
            pltpu.sync_copy(gnum, num1.at[pl.ds(obase, TPT), :])
            pltpu.sync_copy(gden, den1.at[pl.ds(obase, TPT), :])

        plsc.subcore_barrier()
        return 0

    lax.fori_loop(0, T, t_body, 0)


@functools.cache
def _make_edge_call():
  return pl.kernel(
    _edge_body,
    out_type=[
        jax.ShapeDtypeStruct((T * TGT, D), jnp.float32),
        jax.ShapeDtypeStruct((T * TGT, D), jnp.float32),
        jax.ShapeDtypeStruct((T * TGT, 16), jnp.float32),
        jax.ShapeDtypeStruct((T * TGT, 16), jnp.float32),
    ],
    mesh=plsc.VectorSubcoreMesh(core_axis_name="c", subcore_axis_name="s",
                                num_cores=NC, num_subcores=NS),
    scratch_types=[
        pltpu.VMEM_SHARED((SLOTS, D), jnp.float32),
        pltpu.VMEM_SHARED((SLOTS, 16), jnp.float32),
        pltpu.VMEM((N,), jnp.int32),
        pltpu.VMEM((TGT,), jnp.int32),
        pltpu.VMEM((CBUF,), jnp.int32),
        pltpu.VMEM((CBUF,), jnp.int32),
        pltpu.VMEM((CBUF,), jnp.int32),
        pltpu.VMEM((CC,), jnp.int32),
        pltpu.VMEM((CC,), jnp.int32),
        pltpu.VMEM((C,), jnp.int32),
        pltpu.VMEM((C,), jnp.int32),
        pltpu.VMEM((C,), jnp.int32),
        pltpu.VMEM((C, 16), jnp.float32),
        pltpu.VMEM((C, 16), jnp.float32),
        pltpu.VMEM((C, D), jnp.float32),
        pltpu.VMEM((C, 16), jnp.float32),
        pltpu.VMEM((1, 128), jnp.float32),
        pltpu.VMEM((SROWS, D), jnp.float32),
        pltpu.VMEM((SROWS, 16), jnp.float32),
        pltpu.VMEM((TPT,), jnp.int32),
        pltpu.VMEM((TPT, D), jnp.float32),
        pltpu.VMEM((TPT, 16), jnp.float32),
        pltpu.SemaphoreType.DMA,
    ],
    compiler_params=pltpu.CompilerParams(use_tc_tiling_on_sc=False,
                                         needs_layout_passes=False),
  )


def _temporal_body(n0, n1, d0, d1, pos, wq, wk, wv, rh, rs, out):
    num2 = (n0[...] + n1[...]).reshape(T * BLK3, D)
    den2 = (d0[...] + d1[...]).reshape(T * BLK3, 16)
    den128 = jnp.dot(den2, rh[...], preferred_element_type=jnp.float32) + 1e-16
    g = num2 / den128
    g = jnp.where(g > 0, g, jnp.exp(g) - 1.0)
    s3 = g.reshape(T, BLK3, D) + pos[...][:, None, :]
    s2 = s3.reshape(T * BLK3, D)
    k2 = jnp.dot(s2, wk[...], preferred_element_type=jnp.float32).reshape(T, BLK3, D)
    v2 = jnp.dot(s2, wv[...], preferred_element_type=jnp.float32).reshape(T, BLK3, D)
    q7 = jnp.dot(s3[T - 1], wq[...], preferred_element_type=jnp.float32)
    scs = [jnp.dot(q7 * k2[t], rs[...], preferred_element_type=jnp.float32) * 0.25
           for t in range(T)]
    m = scs[0]
    for t in range(1, T):
        m = jnp.maximum(m, scs[t])
    exs = [jnp.exp(s - m) for s in scs]
    dsum = exs[0]
    for t in range(1, T):
        dsum = dsum + exs[t]
    rh8 = rh[...][0:8, :]
    tout = jnp.zeros((BLK3, D), jnp.float32)
    for t in range(T):
        w_t = exs[t] / dsum
        tout = tout + jnp.dot(w_t, rh8, preferred_element_type=jnp.float32) * v2[t]
    out[...] = tout + s3[T - 1]


def _temporal_call(num0, num1, den0, den1, pos_emb, Wq, Wk, Wv, RH, RS):
    nblk = TGT // BLK3
    return pl.pallas_call(
        _temporal_body,
        grid=(nblk,),
        in_specs=[
            pl.BlockSpec((T, BLK3, D), lambda b: (0, b, 0)),
            pl.BlockSpec((T, BLK3, D), lambda b: (0, b, 0)),
            pl.BlockSpec((T, BLK3, 16), lambda b: (0, b, 0)),
            pl.BlockSpec((T, BLK3, 16), lambda b: (0, b, 0)),
            pl.BlockSpec((T, D), lambda b: (0, 0)),
            pl.BlockSpec((D, D), lambda b: (0, 0)),
            pl.BlockSpec((D, D), lambda b: (0, 0)),
            pl.BlockSpec((D, D), lambda b: (0, 0)),
            pl.BlockSpec((16, D), lambda b: (0, 0)),
            pl.BlockSpec((D, 8), lambda b: (0, 0)),
        ],
        out_specs=pl.BlockSpec((BLK3, D), lambda b: (b, 0)),
        out_shape=jax.ShapeDtypeStruct((TGT, D), jnp.float32),
    )(num0, num1, den0, den1, pos_emb, Wq, Wk, Wv, RH, RS)


def _cls_body(e_ref, w1, b1, w2, b2, out):
    e = e_ref[...]
    p = e[0:1024] * e[1024:2048]
    h1 = jnp.dot(p, w1[...], preferred_element_type=jnp.float32) + b1[...]
    h1 = jnp.maximum(h1, 0.0)
    out[...] = jnp.dot(h1, w2[...], preferred_element_type=jnp.float32) + b2[...]


def _cls_call(emb, Wc1, bc1, Wc2, bc2):
    return pl.pallas_call(
        _cls_body,
        out_shape=jax.ShapeDtypeStruct((TGT // 2, 2), jnp.float32),
    )(emb, Wc1, bc1.reshape(1, D), Wc2, bc2.reshape(1, 2))


def kernel(graphs_x, edge_index, nids, W_s, a_src, a_dst, Wq, Wk, Wv,
           pos_emb, Wc1, bc1, Wc2, bc2):
    x2 = graphs_x.reshape(T * N, F)
    src = edge_index[0].astype(jnp.int32)
    dst = edge_index[1].astype(jnp.int32)
    tgt = jnp.concatenate([nids[:, 0], nids[:, 1]]).astype(jnp.int32)

    head_of_lane = jnp.arange(D) // DH
    blockdiag = (head_of_lane[:, None] == jnp.arange(H)[None, :]).astype(jnp.float32)
    Asrc = blockdiag * a_src.reshape(D)[:, None]
    Adst = blockdiag * a_dst.reshape(D)[:, None]
    A128 = jnp.concatenate(
        [Asrc, Asrc, Adst, Adst, jnp.zeros((D, 96), jnp.float32)], axis=1)
    RH = (jnp.arange(16)[:, None] == head_of_lane[None, :]).astype(jnp.float32)
    RS = RH[:8].T

    h_all, alpha_s, alpha_d, maxa = _prep_call(x2, W_s, A128)
    num0, num1, den0, den1 = _make_edge_call()(src, dst, alpha_s, alpha_d,
                                               h_all, maxa, tgt)
    emb = _temporal_call(num0.reshape(T, TGT, D), num1.reshape(T, TGT, D),
                         den0.reshape(T, TGT, 16), den1.reshape(T, TGT, 16),
                         pos_emb, Wq, Wk, Wv, RH, RS)
    return _cls_call(emb, Wc1, bc1, Wc2, bc2)

# --- scband reference (transcript-rebuilt; emitter-appended) ---
"""Pipeline reference for scband-my-dgnn-51805895524588 (READ-ONLY COPY).

The authoritative reference and input builder live on the scoring server;
editing this copy changes nothing except your own understanding.
"""

import jax, jax.numpy as jnp
import numpy as np

N = 10000
T = 8
F = 128
E = 320000
D = 128
H = 8
DH = D // H
B = 1024


def setup_inputs(seed: int = 0) -> dict:
    key = jax.random.key(seed)
    ks = jax.random.split(key, 16)
    x = jax.random.normal(ks[0], (T, N, F), dtype=jnp.float32)
    edge_index = jax.random.randint(ks[1], (2, E), 0, N)
    nids = jax.random.randint(ks[2], (B, 2), 0, N)
    # Structural (GAT) params
    W_s = jax.random.normal(ks[3], (F, D), dtype=jnp.float32) / np.sqrt(F)
    a_src = jax.random.normal(ks[4], (H, DH), dtype=jnp.float32) / np.sqrt(DH)
    a_dst = jax.random.normal(ks[5], (H, DH), dtype=jnp.float32) / np.sqrt(DH)
    # Temporal self-attention params
    Wq = jax.random.normal(ks[6], (D, D), dtype=jnp.float32) / np.sqrt(D)
    Wk = jax.random.normal(ks[7], (D, D), dtype=jnp.float32) / np.sqrt(D)
    Wv = jax.random.normal(ks[8], (D, D), dtype=jnp.float32) / np.sqrt(D)
    pos_emb = jax.random.normal(ks[9], (T, D), dtype=jnp.float32) * 0.02
    # Classifier params
    Wc1 = jax.random.normal(ks[10], (D, D), dtype=jnp.float32) / np.sqrt(D)
    bc1 = jnp.zeros((D,), dtype=jnp.float32)
    Wc2 = jax.random.normal(ks[11], (D, 2), dtype=jnp.float32) / np.sqrt(D)
    bc2 = jnp.zeros((2,), dtype=jnp.float32)
    return {"graphs_x": x, "edge_index": edge_index, "nids": nids,
            "W_s": W_s, "a_src": a_src, "a_dst": a_dst,
            "Wq": Wq, "Wk": Wk, "Wv": Wv, "pos_emb": pos_emb,
            "Wc1": Wc1, "bc1": bc1, "Wc2": Wc2, "bc2": bc2}


def _gat_layer(xt, edge_index, W_s, a_src, a_dst):
    src = edge_index[0]
    dst = edge_index[1]
    h = (xt @ W_s).reshape(N, H, DH)
    alpha_src = jnp.sum(h * a_src[None, :, :], axis=-1)  # [N, H]
    alpha_dst = jnp.sum(h * a_dst[None, :, :], axis=-1)  # [N, H]
    e = jax.nn.leaky_relu(alpha_src[src] + alpha_dst[dst], 0.2)  # [E, H]
    e_max = jax.ops.segment_max(e, dst, num_segments=N)
    e_max = jnp.where(jnp.isfinite(e_max), e_max, 0.0)
    e_max = jax.lax.stop_gradient(e_max)
    ex = jnp.exp(e - e_max[dst])
    denom = jax.ops.segment_sum(ex, dst, num_segments=N)
    coef = ex / (denom[dst] + 1e-16)  # softmax over incoming edges
    out = jax.ops.segment_sum(h[src] * coef[:, :, None], dst, num_segments=N)
    return jax.nn.elu(out.reshape(N, D))


def reference(graphs_x, edge_index, nids, W_s, a_src, a_dst, Wq, Wk, Wv, pos_emb, Wc1, bc1, Wc2, bc2):
    # DySAT structural attention: GAT per snapshot
    structural = jnp.stack([_gat_layer(graphs_x[t], edge_index, W_s, a_src, a_dst) for t in range(T)], axis=1)  # [N, T, D]
    s = structural + pos_emb[None, :, :]
    # DySAT temporal multi-head self-attention over time (causal mask)
    q = (s @ Wq).reshape(N, T, H, DH).transpose(0, 2, 1, 3)  # [N, H, T, DH]
    k = (s @ Wk).reshape(N, T, H, DH).transpose(0, 2, 1, 3)
    v = (s @ Wv).reshape(N, T, H, DH).transpose(0, 2, 1, 3)
    scores = jnp.einsum('nhtd,nhsd->nhts', q, k) / np.sqrt(DH)  # [N, H, T, T]
    mask = jnp.tril(jnp.ones((T, T), dtype=bool))
    scores = jnp.where(mask[None, None, :, :], scores, -1e9)
    attn = jax.nn.softmax(scores, axis=-1)
    tout = jnp.einsum('nhts,nhsd->nhtd', attn, v).transpose(0, 2, 1, 3).reshape(N, T, D)
    final_emb = tout + s  # residual, [N, T, D]
    # _My_DGNN.forward
    emb = final_emb[:, -1, :]
    source_emb = emb[nids[:, 0]]
    target_emb = emb[nids[:, 1]]
    input_emb = source_emb * target_emb
    h1 = jax.nn.relu(input_emb @ Wc1 + bc1)
    logits = h1 @ Wc2 + bc2  # [B, 2]
    return logits

if __name__ == "__main__":
    import jax
    _d = setup_inputs()
    print(jax.jit(kernel)(*tuple(_d.values())))

</pallas_src>

<mosaic_0001>
#map = affine_map<(d0, d1) -> (0)>
#map1 = affine_map<(d0, d1) -> (0, 0)>
module attributes {stable_mosaic.version = 14 : i64} {
  func.func @_edge_body(%arg0: i32, %arg1: i32, %arg2: memref<320000xi32, #tpu.memory_space<hbm>>, %arg3: memref<320000xi32, #tpu.memory_space<hbm>>, %arg4: memref<80000x16xf32, #tpu.memory_space<hbm>>, %arg5: memref<80000x16xf32, #tpu.memory_space<hbm>>, %arg6: memref<80000x128xf32, #tpu.memory_space<hbm>>, %arg7: memref<1x128xf32, #tpu.memory_space<hbm>>, %arg8: memref<2048xi32, #tpu.memory_space<hbm>>, %arg9: memref<16384x128xf32, #tpu.memory_space<hbm>>, %arg10: memref<16384x128xf32, #tpu.memory_space<hbm>>, %arg11: memref<16384x16xf32, #tpu.memory_space<hbm>>, %arg12: memref<16384x16xf32, #tpu.memory_space<hbm>>, %arg13: memref<2064x128xf32, #tpu.memory_space<vmem_shared>>, %arg14: memref<2064x16xf32, #tpu.memory_space<vmem_shared>>, %arg15: memref<10000xi32, #tpu.memory_space<vmem>>, %arg16: memref<2048xi32, #tpu.memory_space<vmem>>, %arg17: memref<10336xi32, #tpu.memory_space<vmem>>, %arg18: memref<10336xi32, #tpu.memory_space<vmem>>, %arg19: memref<10336xi32, #tpu.memory_space<vmem>>, %arg20: memref<400xi32, #tpu.memory_space<vmem>>, %arg21: memref<400xi32, #tpu.memory_space<vmem>>, %arg22: memref<160xi32, #tpu.memory_space<vmem>>, %arg23: memref<160xi32, #tpu.memory_space<vmem>>, %arg24: memref<160xi32, #tpu.memory_space<vmem>>, %arg25: memref<160x16xf32, #tpu.memory_space<vmem>>, %arg26: memref<160x16xf32, #tpu.memory_space<vmem>>, %arg27: memref<160x128xf32, #tpu.memory_space<vmem>>, %arg28: memref<160x16xf32, #tpu.memory_space<vmem>>, %arg29: memref<1x128xf32, #tpu.memory_space<vmem>>, %arg30: memref<129x128xf32, #tpu.memory_space<vmem>>, %arg31: memref<129x16xf32, #tpu.memory_space<vmem>>, %arg32: memref<128xi32, #tpu.memory_space<vmem>>, %arg33: memref<128x128xf32, #tpu.memory_space<vmem>>, %arg34: memref<128x16xf32, #tpu.memory_space<vmem>>, %arg35: memref<!tpu.dma_semaphore, #tpu.memory_space<semaphore_mem>>) attributes {dimension_semantics = [#tpu.dimension_semantics<core_parallel>, #tpu.dimension_semantics<subcore_parallel>], iteration_bounds = array<i64: 2, 16>, scalar_prefetch = 0 : i64, scratch_operands = 23 : i64, tpu.core_type = #tpu.core_type<sc_vector_subcore>, window_params = [{transform_indices = #map}, {transform_indices = #map}, {transform_indices = #map1}, {transform_indices = #map1}, {transform_indices = #map1}, {transform_indices = #map1}, {transform_indices = #map}, {transform_indices = #map1}, {transform_indices = #map1}, {transform_indices = #map1}, {transform_indices = #map1}]} {
    %mul3A = arith.constant 16 : i32
    %mul3A_0 = arith.muli %arg0, %mul3A : i32
    %add3A = arith.addi %mul3A_0, %arg1 : i32
    %mul3A_1 = arith.constant 10000 : i32
    %mul3A_2 = arith.muli %add3A, %mul3A_1 : i32
    "tpu.region"() ({
      %run_scoped3A = tpu.sem_alloc : memref<!tpu.dma_semaphore, #tpu.memory_space<semaphore_mem>>
      tpu.enqueue_dma source(%arg7 : memref<1x128xf32, #tpu.memory_space<hbm>>) target(%arg29 : memref<1x128xf32, #tpu.memory_space<vmem>>) target_semaphore(%run_scoped3A : memref<!tpu.dma_semaphore, #tpu.memory_space<semaphore_mem>>)
      tpu.wait_dma2 semaphore(%run_scoped3A : memref<!tpu.dma_semaphore, #tpu.memory_space<semaphore_mem>>) src(%arg7 : memref<1x128xf32, #tpu.memory_space<hbm>>) dst(%arg29 : memref<1x128xf32, #tpu.memory_space<vmem>>)
      tpu.yield
    }) : () -> ()
    %get3A = arith.constant 0 : i32
    %get3A_3 = arith.index_cast %get3A : i32 to index
    %get3A_4 = arith.constant 0 : index
    %get3A_5 = tpu.vector_load %arg29[%get3A_3, %get3A_4] {strides = array<i32>} : memref<1x128xf32, #tpu.memory_space<vmem>>, vector<16xf32>,
    "tpu.region"() ({
      %run_scoped3A = tpu.sem_alloc : memref<!tpu.dma_semaphore, #tpu.memory_space<semaphore_mem>>
      tpu.enqueue_dma source(%arg8 : memref<2048xi32, #tpu.memory_space<hbm>>) target(%arg16 : memref<2048xi32, #tpu.memory_space<vmem>>) target_semaphore(%run_scoped3A : memref<!tpu.dma_semaphore, #tpu.memory_space<semaphore_mem>>)
      tpu.wait_dma2 semaphore(%run_scoped3A : memref<!tpu.dma_semaphore, #tpu.memory_space<semaphore_mem>>) src(%arg8 : memref<2048xi32, #tpu.memory_space<hbm>>) dst(%arg16 : memref<2048xi32, #tpu.memory_space<vmem>>)
      tpu.yield
    }) : () -> ()
    %broadcast_in_dim3A = arith.constant 2048 : i32
    %broadcast_in_dim3A_6 = vector.broadcast %broadcast_in_dim3A : i32 to vector<16xi32>
    %broadcast_in_dim3A_7 = arith.constant 0 : i32
    %broadcast_in_dim3A_8 = vector.broadcast %broadcast_in_dim3A_7 : i32 to vector<16xi32>
    %broadcast_in_dim3A_9 = arith.constant 0.000000e+00 : f32
    %broadcast_in_dim3A_10 = vector.broadcast %broadcast_in_dim3A_9 : f32 to vector<16xf32>
    %iota3A = tpu.iota {dimensions = array<i32: 0>} : vector<16xi32>
    %scan3A = arith.constant 0 : i32
    %scan3A_11 = arith.constant 0 : i32
    %scan3A_12 = arith.constant 129 : i32
    %scan3A_13 = arith.addi %scan3A_11, %scan3A_12 : i32
    %scan3A_14 = arith.constant 1 : i32
    %scan3A_15 = scf.for %scan3A_179 = %scan3A_11 to %scan3A_13 step %scan3A_14 iter_args(%scan3A_180 = %scan3A) -> (i32)  : i32 {
      %swap3A_181 = arith.index_cast %scan3A_179 : i32 to index
      %swap3A_182 = arith.constant 0 : index
      %swap3A_183 = tpu.vector_load %arg30[%swap3A_181, %swap3A_182] {strides = array<i32>} : memref<129x128xf32, #tpu.memory_space<vmem>>, vector<16xf32>,
      tpu.vector_store %arg30[%swap3A_181, %swap3A_182], %broadcast_in_dim3A_10 {strides = array<i32>} : memref<129x128xf32, #tpu.memory_space<vmem>>, vector<16xf32>,
      %swap3A_184 = arith.index_cast %scan3A_179 : i32 to index
      %swap3A_185 = arith.constant 16 : index
      %swap3A_186 = tpu.vector_load %arg30[%swap3A_184, %swap3A_185] {strides = array<i32>} : memref<129x128xf32, #tpu.memory_space<vmem>>, vector<16xf32>,
      tpu.vector_store %arg30[%swap3A_184, %swap3A_185], %broadcast_in_dim3A_10 {strides = array<i32>} : memref<129x128xf32, #tpu.memory_space<vmem>>, vector<16xf32>,
      %swap3A_187 = arith.index_cast %scan3A_179 : i32 to index
      %swap3A_188 = arith.constant 32 : index
      %swap3A_189 = tpu.vector_load %arg30[%swap3A_187, %swap3A_188] {strides = array<i32>} : memref<129x128xf32, #tpu.memory_space<vmem>>, vector<16xf32>,
      tpu.vector_store %arg30[%swap3A_187, %swap3A_188], %broadcast_in_dim3A_10 {strides = array<i32>} : memref<129x128xf32, #tpu.memory_space<vmem>>, vector<16xf32>,
      %swap3A_190 = arith.index_cast %scan3A_179 : i32 to index
      %swap3A_191 = arith.constant 48 : index
      %swap3A_192 = tpu.vector_load %arg30[%swap3A_190, %swap3A_191] {strides = array<i32>} : memref<129x128xf32, #tpu.memory_space<vmem>>, vector<16xf32>,
      tpu.vector_store %arg30[%swap3A_190, %swap3A_191], %broadcast_in_dim3A_10 {strides = array<i32>} : memref<129x128xf32, #tpu.memory_space<vmem>>, vector<16xf32>,
      %swap3A_193 = arith.index_cast %scan3A_179 : i32 to index
      %swap3A_194 = arith.constant 64 : index
      %swap3A_195 = tpu.vector_load %arg30[%swap3A_193, %swap3A_194] {strides = array<i32>} : memref<129x128xf32, #tpu.memory_space<vmem>>, vector<16xf32>,
      tpu.vector_store %arg30[%swap3A_193, %swap3A_194], %broadcast_in_dim3A_10 {strides = array<i32>} : memref<129x128xf32, #tpu.memory_space<vmem>>, vector<16xf32>,
      %swap3A_196 = arith.index_cast %scan3A_179 : i32 to index
      %swap3A_197 = arith.constant 80 : index
      %swap3A_198 = tpu.vector_load %arg30[%swap3A_196, %swap3A_197] {strides = array<i32>} : memref<129x128xf32, #tpu.memory_space<vmem>>, vector<16xf32>,
      tpu.vector_store %arg30[%swap3A_196, %swap3A_197], %broadcast_in_dim3A_10 {strides = array<i32>} : memref<129x128xf32, #tpu.memory_space<vmem>>, vector<16xf32>,
      %swap3A_199 = arith.index_cast %scan3A_179 : i32 to index
      %swap3A_200 = arith.constant 96 : index
      %swap3A_201 = tpu.vector_load %arg30[%swap3A_199, %swap3A_200] {strides = array<i32>} : memref<129x128xf32, #tpu.memory_space<vmem>>, vector<16xf32>,
      tpu.vector_store %arg30[%swap3A_199, %swap3A_200], %broadcast_in_dim3A_10 {strides = array<i32>} : memref<129x128xf32, #tpu.memory_space<vmem>>, vector<16xf32>,
      %swap3A_202 = arith.index_cast %scan3A_179 : i32 to index
      %swap3A_203 = arith.constant 112 : index
      %swap3A_204 = tpu.vector_load %arg30[%swap3A_202, %swap3A_203] {strides = array<i32>} : memref<129x128xf32, #tpu.memory_space<vmem>>, vector<16xf32>,
      tpu.vector_store %arg30[%swap3A_202, %swap3A_203], %broadcast_in_dim3A_10 {strides = array<i32>} : memref<129x128xf32, #tpu.memory_space<vmem>>, vector<16xf32>,
      %swap3A_205 = arith.index_cast %scan3A_179 : i32 to index
      %swap3A_206 = arith.constant 0 : index
      %swap3A_207 = tpu.vector_load %arg31[%swap3A_205, %swap3A_206] {strides = array<i32>} : memref<129x16xf32, #tpu.memory_space<vmem>>, vector<16xf32>,
      tpu.vector_store %arg31[%swap3A_205, %swap3A_206], %broadcast_in_dim3A_10 {strides = array<i32>} : memref<129x16xf32, #tpu.memory_space<vmem>>, vector<16xf32>,
      %scan3A_208 = arith.constant 0 : i32
      scf.yield %scan3A_208 : i32
    }
    %scan3A_16 = arith.constant 129 : i32
    %scan3A_17 = arith.constant 0 : i32
    %scan3A_18 = arith.constant 0 : i32
    %scan3A_19 = arith.constant 625 : i32
    %scan3A_20 = arith.addi %scan3A_18, %scan3A_19 : i32
    %scan3A_21 = arith.constant 1 : i32
    %scan3A_22 = scf.for %scan3A_179 = %scan3A_18 to %scan3A_20 step %scan3A_21 iter_args(%scan3A_180 = %scan3A_17) -> (i32)  : i32 {
      %mul3A_181 = arith.constant 16 : i32
      %mul3A_182 = arith.muli %mul3A_181, %scan3A_179 : i32
      %swap3A_183 = arith.index_cast %mul3A_182 : i32 to index
      %swap3A_184 = tpu.vector_load %arg15[%swap3A_183] {strides = array<i32>} : memref<10000xi32, #tpu.memory_space<vmem>>, vector<16xi32>,
      tpu.vector_store %arg15[%swap3A_183], %broadcast_in_dim3A_6 {strides = array<i32>} : memref<10000xi32, #tpu.memory_space<vmem>>, vector<16xi32>,
      %scan3A_185 = arith.constant 0 : i32
      scf.yield %scan3A_185 : i32
    }
    %scan3A_23 = arith.constant 625 : i32
    %scan3A_24 = arith.constant 0 : i32
    %scan3A_25 = arith.constant 0 : i32
    %scan3A_26 = arith.constant 128 : i32
    %scan3A_27 = arith.addi %scan3A_25, %scan3A_26 : i32
    %scan3A_28 = arith.constant 1 : i32
    %scan3A_29 = scf.for %scan3A_179 = %scan3A_25 to %scan3A_27 step %scan3A_28 iter_args(%scan3A_180 = %scan3A_24) -> (i32)  : i32 {
      %mul3A_181 = arith.constant 16 : i32
      %mul3A_182 = arith.muli %mul3A_181, %scan3A_179 : i32
      %get3A_183 = arith.index_cast %mul3A_182 : i32 to index
      %get3A_184 = tpu.vector_load %arg16[%get3A_183] {strides = array<i32>} : memref<2048xi32, #tpu.memory_space<vmem>>, vector<16xi32>,
      %mul3A_185 = arith.constant 16 : i32
      %mul3A_186 = arith.muli %mul3A_185, %scan3A_179 : i32
      %add3A_187 = vector.broadcast %mul3A_186 : i32 to vector<16xi32>
      %add3A_188 = arith.addi %iota3A, %add3A_187 : vector<16xi32>
      tpu.vector_store_idx %arg15[%get3A_184], %add3A_188 : memref<10000xi32, #tpu.memory_space<vmem>>[vector<16xi32>], vector<16xi32>,
      %scan3A_189 = arith.constant 0 : i32
      scf.yield %scan3A_189 : i32
    }
    %scan3A_30 = arith.constant 128 : i32
    %mul3A_31 = arith.constant 128 : i32
    %mul3A_32 = arith.muli %arg1, %mul3A_31 : i32
    %add3A_33 = arith.constant 0 : i32
    %add3A_34 = arith.addi %mul3A_32, %add3A_33 : i32
    %get3A_35 = arith.index_cast %add3A_34 : i32 to index
    %get3A_36 = tpu.vector_load %arg16[%get3A_35] {strides = array<i32>} : memref<2048xi32, #tpu.memory_space<vmem>>, vector<16xi32>,
    %gather3A = tpu.vector_load_idx %arg15[%get3A_36] : memref<10000xi32, #tpu.memory_space<vmem>>[vector<16xi32>], vector<16xi32>,
    %swap3A = arith.constant 0 : index
    %swap3A_37 = tpu.vector_load %arg32[%swap3A] {strides = array<i32>} : memref<128xi32, #tpu.memory_space<vmem>>, vector<16xi32>,
    tpu.vector_store %arg32[%swap3A], %gather3A {strides = array<i32>} : memref<128xi32, #tpu.memory_space<vmem>>, vector<16xi32>,
    %mul3A_38 = arith.constant 128 : i32
    %mul3A_39 = arith.muli %arg1, %mul3A_38 : i32
    %add3A_40 = arith.constant 16 : i32
    %add3A_41 = arith.addi %mul3A_39, %add3A_40 : i32
    %get3A_42 = arith.index_cast %add3A_41 : i32 to index
    %get3A_43 = tpu.vector_load %arg16[%get3A_42] {strides = array<i32>} : memref<2048xi32, #tpu.memory_space<vmem>>, vector<16xi32>,
    %gather3A_44 = tpu.vector_load_idx %arg15[%get3A_43] : memref<10000xi32, #tpu.memory_space<vmem>>[vector<16xi32>], vector<16xi32>,
    %swap3A_45 = arith.constant 16 : index
    %swap3A_46 = tpu.vector_load %arg32[%swap3A_45] {strides = array<i32>} : memref<128xi32, #tpu.memory_space<vmem>>, vector<16xi32>,
    tpu.vector_store %arg32[%swap3A_45], %gather3A_44 {strides = array<i32>} : memref<128xi32, #tpu.memory_space<vmem>>, vector<16xi32>,
    %mul3A_47 = arith.constant 128 : i32
    %mul3A_48 = arith.muli %arg1, %mul3A_47 : i32
    %add3A_49 = arith.constant 32 : i32
    %add3A_50 = arith.addi %mul3A_48, %add3A_49 : i32
    %get3A_51 = arith.index_cast %add3A_50 : i32 to index
    %get3A_52 = tpu.vector_load %arg16[%get3A_51] {strides = array<i32>} : memref<2048xi32, #tpu.memory_space<vmem>>, vector<16xi32>,
    %gather3A_53 = tpu.vector_load_idx %arg15[%get3A_52] : memref<10000xi32, #tpu.memory_space<vmem>>[vector<16xi32>], vector<16xi32>,
    %swap3A_54 = arith.constant 32 : index
    %swap3A_55 = tpu.vector_load %arg32[%swap3A_54] {strides = array<i32>} : memref<128xi32, #tpu.memory_space<vmem>>, vector<16xi32>,
    tpu.vector_store %arg32[%swap3A_54], %gather3A_53 {strides = array<i32>} : memref<128xi32, #tpu.memory_space<vmem>>, vector<16xi32>,
    %mul3A_56 = arith.constant 128 : i32
    %mul3A_57 = arith.muli %arg1, %mul3A_56 : i32
    %add3A_58 = arith.constant 48 : i32
    %add3A_59 = arith.addi %mul3A_57, %add3A_58 : i32
    %get3A_60 = arith.index_cast %add3A_59 : i32 to index
    %get3A_61 = tpu.vector_load %arg16[%get3A_60] {strides = array<i32>} : memref<2048xi32, #tpu.memory_space<vmem>>, vector<16xi32>,
    %gather3A_62 = tpu.vector_load_idx %arg15[%get3A_61] : memref<10000xi32, #tpu.memory_space<vmem>>[vector<16xi32>], vector<16xi32>,
    %swap3A_63 = arith.constant 48 : index
    %swap3A_64 = tpu.vector_load %arg32[%swap3A_63] {strides = array<i32>} : memref<128xi32, #tpu.memory_space<vmem>>, vector<16xi32>,
    tpu.vector_store %arg32[%swap3A_63], %gather3A_62 {strides = array<i32>} : memref<128xi32, #tpu.memory_space<vmem>>, vector<16xi32>,
    %mul3A_65 = arith.constant 128 : i32
    %mul3A_66 = arith.muli %arg1, %mul3A_65 : i32
    %add3A_67 = arith.constant 64 : i32
    %add3A_68 = arith.addi %mul3A_66, %add3A_67 : i32
    %get3A_69 = arith.index_cast %add3A_68 : i32 to index
    %get3A_70 = tpu.vector_load %arg16[%get3A_69] {strides = array<i32>} : memref<2048xi32, #tpu.memory_space<vmem>>, vector<16xi32>,
    %gather3A_71 = tpu.vector_load_idx %arg15[%get3A_70] : memref<10000xi32, #tpu.memory_space<vmem>>[vector<16xi32>], vector<16xi32>,
    %swap3A_72 = arith.constant 64 : index
    %swap3A_73 = tpu.vector_load %arg32[%swap3A_72] {strides = array<i32>} : memref<128xi32, #tpu.memory_space<vmem>>, vector<16xi32>,
    tpu.vector_store %arg32[%swap3A_72], %gather3A_71 {strides = array<i32>} : memref<128xi32, #tpu.memory_space<vmem>>, vector<16xi32>,
    %mul3A_74 = arith.constant 128 : i32
    %mul3A_75 = arith.muli %arg1, %mul3A_74 : i32
    %add3A_76 = arith.constant 80 : i32
    %add3A_77 = arith.addi %mul3A_75, %add3A_76 : i32
    %get3A_78 = arith.index_cast %add3A_77 : i32 to index
    %get3A_79 = tpu.vector_load %arg16[%get3A_78] {strides = array<i32>} : memref<2048xi32, #tpu.memory_space<vmem>>, vector<16xi32>,
    %gather3A_80 = tpu.vector_load_idx %arg15[%get3A_79] : memref<10000xi32, #tpu.memory_space<vmem>>[vector<16xi32>], vector<16xi32>,
    %swap3A_81 = arith.constant 80 : index
    %swap3A_82 = tpu.vector_load %arg32[%swap3A_81] {strides = array<i32>} : memref<128xi32, #tpu.memory_space<vmem>>, vector<16xi32>,
    tpu.vector_store %arg32[%swap3A_81], %gather3A_80 {strides = array<i32>} : memref<128xi32, #tpu.memory_space<vmem>>, vector<16xi32>,
    %mul3A_83 = arith.constant 128 : i32
    %mul3A_84 = arith.muli %arg1, %mul3A_83 : i32
    %add3A_85 = arith.constant 96 : i32
    %add3A_86 = arith.addi %mul3A_84, %add3A_85 : i32
    %get3A_87 = arith.index_cast %add3A_86 : i32 to index
    %get3A_88 = tpu.vector_load %arg16[%get3A_87] {strides = array<i32>} : memref<2048xi32, #tpu.memory_space<vmem>>, vector<16xi32>,
    %gather3A_89 = tpu.vector_load_idx %arg15[%get3A_88] : memref<10000xi32, #tpu.memory_space<vmem>>[vector<16xi32>], vector<16xi32>,
    %swap3A_90 = arith.constant 96 : index
    %swap3A_91 = tpu.vector_load %arg32[%swap3A_90] {strides = array<i32>} : memref<128xi32, #tpu.memory_space<vmem>>, vector<16xi32>,
    tpu.vector_store %arg32[%swap3A_90], %gather3A_89 {strides = array<i32>} : memref<128xi32, #tpu.memory_space<vmem>>, vector<16xi32>,
    %mul3A_92 = arith.constant 128 : i32
    %mul3A_93 = arith.muli %arg1, %mul3A_92 : i32
    %add3A_94 = arith.constant 112 : i32
    %add3A_95 = arith.addi %mul3A_93, %add3A_94 : i32
    %get3A_96 = arith.index_cast %add3A_95 : i32 to index
    %get3A_97 = tpu.vector_load %arg16[%get3A_96] {strides = array<i32>} : memref<2048xi32, #tpu.memory_space<vmem>>, vector<16xi32>,
    %gather3A_98 = tpu.vector_load_idx %arg15[%get3A_97] : memref<10000xi32, #tpu.memory_space<vmem>>[vector<16xi32>], vector<16xi32>,
    %swap3A_99 = arith.constant 112 : index
    %swap3A_100 = tpu.vector_load %arg32[%swap3A_99] {strides = array<i32>} : memref<128xi32, #tpu.memory_space<vmem>>, vector<16xi32>,
    tpu.vector_store %arg32[%swap3A_99], %gather3A_98 {strides = array<i32>} : memref<128xi32, #tpu.memory_space<vmem>>, vector<16xi32>,
    %scan3A_101 = arith.constant 0 : i32
    %scan3A_102 = arith.constant 0 : i32
    %scan3A_103 = arith.constant 25 : i32
    %scan3A_104 = arith.addi %scan3A_102, %scan3A_103 : i32
    %scan3A_105 = arith.constant 1 : i32
    %scan3A_106 = scf.for %scan3A_179 = %scan3A_102 to %scan3A_104 step %scan3A_105 iter_args(%scan3A_180 = %scan3A_101) -> (i32)  : i32 {
      %mul3A_181 = arith.constant 400 : i32
      %mul3A_182 = arith.muli %scan3A_179, %mul3A_181 : i32
      %add3A_183 = arith.addi %mul3A_2, %mul3A_182 : i32
      "tpu.region"() ({
        %run_scoped3A = tpu.sem_alloc : memref<!tpu.dma_semaphore, #tpu.memory_space<semaphore_mem>>
        %dma_start3A = tpu.memref_slice %arg2[%add3A_183] : memref<320000xi32, #tpu.memory_space<hbm>> -> memref<400xi32, #tpu.memory_space<hbm>>
        %dma_start3A_193 = tpu.memref_slice %arg2[%add3A_183] : memref<320000xi32, #tpu.memory_space<hbm>> -> memref<400xi32, #tpu.memory_space<hbm>>
        tpu.enqueue_dma source(%dma_start3A_193 : memref<400xi32, #tpu.memory_space<hbm>>) target(%arg20 : memref<400xi32, #tpu.memory_space<vmem>>) target_semaphore(%run_scoped3A : memref<!tpu.dma_semaphore, #tpu.memory_space<semaphore_mem>>)
        %dma_wait3A = tpu.memref_slice %arg2[%add3A_183] : memref<320000xi32, #tpu.memory_space<hbm>> -> memref<400xi32, #tpu.memory_space<hbm>>
        %dma_wait3A_194 = tpu.memref_slice %arg2[%add3A_183] : memref<320000xi32, #tpu.memory_space<hbm>> -> memref<400xi32, #tpu.memory_space<hbm>>
        tpu.wait_dma2 semaphore(%run_scoped3A : memref<!tpu.dma_semaphore, #tpu.memory_space<semaphore_mem>>) src(%dma_wait3A_194 : memref<400xi32, #tpu.memory_space<hbm>>) dst(%arg20 : memref<400xi32, #tpu.memory_space<vmem>>)
        tpu.yield
      }) : () -> ()
      %mul3A_184 = arith.constant 400 : i32
      %mul3A_185 = arith.muli %scan3A_179, %mul3A_184 : i32
      %add3A_186 = arith.addi %mul3A_2, %mul3A_185 : i32
      "tpu.region"() ({
        %run_scoped3A = tpu.sem_alloc : memref<!tpu.dma_semaphore, #tpu.memory_space<semaphore_mem>>
        %dma_start3A = tpu.memref_slice %arg3[%add3A_186] : memref<320000xi32, #tpu.memory_space<hbm>> -> memref<400xi32, #tpu.memory_space<hbm>>
        %dma_start3A_193 = tpu.memref_slice %arg3[%add3A_186] : memref<320000xi32, #tpu.memory_space<hbm>> -> memref<400xi32, #tpu.memory_space<hbm>>
        tpu.enqueue_dma source(%dma_start3A_193 : memref<400xi32, #tpu.memory_space<hbm>>) target(%arg21 : memref<400xi32, #tpu.memory_space<vmem>>) target_semaphore(%run_scoped3A : memref<!tpu.dma_semaphore, #tpu.memory_space<semaphore_mem>>)
        %dma_wait3A = tpu.memref_slice %arg3[%add3A_186] : memref<320000xi32, #tpu.memory_space<hbm>> -> memref<400xi32, #tpu.memory_space<hbm>>
        %dma_wait3A_194 = tpu.memref_slice %arg3[%add3A_186] : memref<320000xi32, #tpu.memory_space<hbm>> -> memref<400xi32, #tpu.memory_space<hbm>>
        tpu.wait_dma2 semaphore(%run_scoped3A : memref<!tpu.dma_semaphore, #tpu.memory_space<semaphore_mem>>) src(%dma_wait3A_194 : memref<400xi32, #tpu.memory_space<hbm>>) dst(%arg21 : memref<400xi32, #tpu.memory_space<vmem>>)
        tpu.yield
      }) : () -> ()
      %scan3A_187 = arith.constant 0 : i32
      %scan3A_188 = arith.constant 25 : i32
      %scan3A_189 = arith.addi %scan3A_187, %scan3A_188 : i32
      %scan3A_190 = arith.constant 1 : i32
      %scan3A_191 = scf.for %scan3A_193 = %scan3A_187 to %scan3A_189 step %scan3A_190 iter_args(%scan3A_194 = %scan3A_180) -> (i32)  : i32 {
        %mul3A_195 = arith.constant 16 : i32
        %mul3A_196 = arith.muli %mul3A_195, %scan3A_193 : i32
        %get3A_197 = arith.index_cast %mul3A_196 : i32 to index
        %get3A_198 = tpu.vector_load %arg20[%get3A_197] {strides = array<i32>} : memref<400xi32, #tpu.memory_space<vmem>>, vector<16xi32>,
        %mul3A_199 = arith.constant 16 : i32
        %mul3A_200 = arith.muli %mul3A_199, %scan3A_193 : i32
        %get3A_201 = arith.index_cast %mul3A_200 : i32 to index
        %get3A_202 = tpu.vector_load %arg21[%get3A_201] {strides = array<i32>} : memref<400xi32, #tpu.memory_space<vmem>>, vector<16xi32>,
        %gather3A_203 = tpu.vector_load_idx %arg15[%get3A_202] : memref<10000xi32, #tpu.memory_space<vmem>>[vector<16xi32>], vector<16xi32>,
        %lt3A = arith.constant 2048 : i32
        %lt3A_204 = vector.broadcast %lt3A : i32 to vector<16xi32>
        %lt3A_205 = arith.cmpi slt, %gather3A_203, %lt3A_204 : vector<16xi32>
        %swap3A_206 = arith.index_cast %scan3A_194 : i32 to index
        %swap3A_207 = tpu.vector_load %arg17[%swap3A_206] masked %lt3A_205 {strides = array<i32>} : memref<10336xi32, #tpu.memory_space<vmem>>, vector<16xi32>, vector<16xi1>
        tpu.vector_store %arg17[%swap3A_206], %get3A_198 masked %lt3A_205 {strides = array<i32>} : memref<10336xi32, #tpu.memory_space<vmem>>, vector<16xi32>, vector<16xi1>
        %swap3A_208 = arith.index_cast %scan3A_194 : i32 to index
        %swap3A_209 = tpu.vector_load %arg18[%swap3A_208] masked %lt3A_205 {strides = array<i32>} : memref<10336xi32, #tpu.memory_space<vmem>>, vector<16xi32>, vector<16xi1>
        tpu.vector_store %arg18[%swap3A_208], %get3A_202 masked %lt3A_205 {strides = array<i32>} : memref<10336xi32, #tpu.memory_space<vmem>>, vector<16xi32>, vector<16xi1>
        %swap3A_210 = arith.index_cast %scan3A_194 : i32 to index
        %swap3A_211 = tpu.vector_load %arg19[%swap3A_210] masked %lt3A_205 {strides = array<i32>} : memref<10336xi32, #tpu.memory_space<vmem>>, vector<16xi32>, vector<16xi1>
        tpu.vector_store %arg19[%swap3A_210], %gather3A_203 masked %lt3A_205 {strides = array<i32>} : memref<10336xi32, #tpu.memory_space<vmem>>, vector<16xi32>, vector<16xi1>
        %all_reduce_population_count3A = tpu.all_reduce %lt3A_205 {dim = 0 : i64, kind = #tpu.reduction_kind<sum>} : vector<16xi1> -> vector<16xi32>
        %slice3A = vector.extract_strided_slice %all_reduce_population_count3A {offsets = [0], sizes = [1], strides = [1]} : vector<16xi32> to vector<1xi32>
        %squeeze3A = vector.extract %slice3A[0] : i32 from vector<1xi32>
        %add3A_212 = arith.addi %scan3A_194, %squeeze3A : i32
        scf.yield %add3A_212 : i32
      }
      %scan3A_192 = arith.constant 25 : i32
      scf.yield %scan3A_191 : i32
    }
    %scan3A_107 = arith.constant 25 : i32
    %add3A_108 = arith.constant 160 : i32
    %add3A_109 = arith.addi %scan3A_106, %add3A_108 : i32
    %sub3A = arith.constant 1 : i32
    %sub3A_110 = arith.subi %add3A_109, %sub3A : i32
    %jit3A = arith.constant 160 : i32
    %div3A = arith.divsi %sub3A_110, %jit3A : i32
    %sign3A = arith.constant 0 : i32
    %sign3A_111 = arith.cmpi sgt, %sub3A_110, %sign3A : i32
    %sign3A_112 = arith.extui %sign3A_111 : i1 to i32
    %sign3A_113 = arith.constant 0 : i32
    %sign3A_114 = arith.cmpi slt, %sub3A_110, %sign3A_113 : i32
    %sign3A_115 = arith.extui %sign3A_114 : i1 to i32
    %sign3A_116 = arith.subi %sign3A_112, %sign3A_115 : i32
    %sign3A_117 = arith.constant 0 : i32
    %sign3A_118 = arith.cmpi sgt, %jit3A, %sign3A_117 : i32
    %sign3A_119 = arith.extui %sign3A_118 : i1 to i32
    %sign3A_120 = arith.constant 0 : i32
    %sign3A_121 = arith.cmpi slt, %jit3A, %sign3A_120 : i32
    %sign3A_122 = arith.extui %sign3A_121 : i1 to i32
    %sign3A_123 = arith.subi %sign3A_119, %sign3A_122 : i32
    %ne3A = arith.cmpi ne, %sign3A_116, %sign3A_123 : i32
    %rem3A = arith.remsi %sub3A_110, %jit3A : i32
    %ne3A_124 = arith.constant 0 : i32
    %ne3A_125 = arith.cmpi ne, %rem3A, %ne3A_124 : i32
    %and3A = arith.andi %ne3A, %ne3A_125 : i1
    %sub3A_126 = arith.constant 1 : i32
    %sub3A_127 = arith.subi %div3A, %sub3A_126 : i32
    %select_n3A = arith.select %and3A, %sub3A_127, %div3A : i32
    %mul3A_128 = arith.constant 160 : i32
    %mul3A_129 = arith.muli %select_n3A, %mul3A_128 : i32
    %sub3A_130 = arith.subi %mul3A_129, %scan3A_106 : i32
    %add3A_131 = arith.constant 15 : i32
    %add3A_132 = arith.addi %sub3A_130, %add3A_131 : i32
    %jit3A_133 = arith.constant 16 : i32
    %div3A_134 = arith.divsi %add3A_132, %jit3A_133 : i32
    %sign3A_135 = arith.constant 0 : i32
    %sign3A_136 = arith.cmpi sgt, %add3A_132, %sign3A_135 : i32
    %sign3A_137 = arith.extui %sign3A_136 : i1 to i32
    %sign3A_138 = arith.constant 0 : i32
    %sign3A_139 = arith.cmpi slt, %add3A_132, %sign3A_138 : i32
    %sign3A_140 = arith.extui %sign3A_139 : i1 to i32
    %sign3A_141 = arith.subi %sign3A_137, %sign3A_140 : i32
    %sign3A_142 = arith.constant 0 : i32
    %sign3A_143 = arith.cmpi sgt, %jit3A_133, %sign3A_142 : i32
    %sign3A_144 = arith.extui %sign3A_143 : i1 to i32
    %sign3A_145 = arith.constant 0 : i32
    %sign3A_146 = arith.cmpi slt, %jit3A_133, %sign3A_145 : i32
    %sign3A_147 = arith.extui %sign3A_146 : i1 to i32
    %sign3A_148 = arith.subi %sign3A_144, %sign3A_147 : i32
    %ne3A_149 = arith.cmpi ne, %sign3A_141, %sign3A_148 : i32
    %rem3A_150 = arith.remsi %add3A_132, %jit3A_133 : i32
    %ne3A_151 = arith.constant 0 : i32
    %ne3A_152 = arith.cmpi ne, %rem3A_150, %ne3A_151 : i32
    %and3A_153 = arith.andi %ne3A_149, %ne3A_152 : i1
    %sub3A_154 = arith.constant 1 : i32
    %sub3A_155 = arith.subi %div3A_134, %sub3A_154 : i32
    %select_n3A_156 = arith.select %and3A_153, %sub3A_155, %div3A_134 : i32
    %broadcast_in_dim3A_157 = arith.constant 2048 : i32
    %broadcast_in_dim3A_158 = vector.broadcast %broadcast_in_dim3A_157 : i32 to vector<16xi32>
    %add3A_159 = vector.broadcast %arg1 : i32 to vector<16xi32>
    %add3A_160 = arith.addi %broadcast_in_dim3A_158, %add3A_159 : vector<16xi32>
    %while3A = arith.constant 0 : i32
    %while3A_161 = arith.constant 0 : i32
    %while3A_162 = arith.subi %select_n3A_156, %while3A : i32
    %while3A_163 = arith.addi %while3A, %while3A_162 : i32
    %while3A_164 = arith.constant 1 : i32
    %while3A_165 = arith.divsi %while3A_162, %while3A_164 : i32
    %while3A_166 = arith.muli %while3A_165, %while3A_164 : i32
    %while3A_167 = arith.addi %while3A, %while3A_166 : i32
    %while3A_168 = arith.constant 1 : i32
    %while3A_169 = scf.for %while3A_179 = %while3A to %while3A_167 step %while3A_168 iter_args(%while3A_180 = %while3A_161) -> (i32)  : i32 {
      %mul3A_181 = arith.constant 16 : i32
      %mul3A_182 = arith.muli %mul3A_181, %while3A_179 : i32
      %add3A_183 = arith.addi %scan3A_106, %mul3A_182 : i32
      %swap3A_184 = arith.index_cast %add3A_183 : i32 to index
      %swap3A_185 = tpu.vector_load %arg17[%swap3A_184] {strides = array<i32>} : memref<10336xi32, #tpu.memory_space<vmem>>, vector<16xi32>,
      tpu.vector_store %arg17[%swap3A_184], %broadcast_in_dim3A_8 {strides = array<i32>} : memref<10336xi32, #tpu.memory_space<vmem>>, vector<16xi32>,
      %swap3A_186 = arith.index_cast %add3A_183 : i32 to index
      %swap3A_187 = tpu.vector_load %arg18[%swap3A_186] {strides = array<i32>} : memref<10336xi32, #tpu.memory_space<vmem>>, vector<16xi32>,
      tpu.vector_store %arg18[%swap3A_186], %broadcast_in_dim3A_8 {strides = array<i32>} : memref<10336xi32, #tpu.memory_space<vmem>>, vector<16xi32>,
      %swap3A_188 = arith.index_cast %add3A_183 : i32 to index
      %swap3A_189 = tpu.vector_load %arg19[%swap3A_188] {strides = array<i32>} : memref<10336xi32, #tpu.memory_space<vmem>>, vector<16xi32>,
      tpu.vector_store %arg19[%swap3A_188], %add3A_160 {strides = array<i32>} : memref<10336xi32, #tpu.memory_space<vmem>>, vector<16xi32>,
      %while3A_190 = arith.constant 0 : i32
      scf.yield %while3A_190 : i32
    }
    %while3A_170 = arith.constant 1 : i32
    %while3A_171 = scf.for %while3A_179 = %while3A_167 to %while3A_163 step %while3A_170 iter_args(%while3A_180 = %while3A_169) -> (i32)  : i32 {
      %mul3A_181 = arith.constant 16 : i32
      %mul3A_182 = arith.muli %mul3A_181, %while3A_179 : i32
      %add3A_183 = arith.addi %scan3A_106, %mul3A_182 : i32
      %swap3A_184 = arith.index_cast %add3A_183 : i32 to index
      %swap3A_185 = tpu.vector_load %arg17[%swap3A_184] {strides = array<i32>} : memref<10336xi32, #tpu.memory_space<vmem>>, vector<16xi32>,
      tpu.vector_store %arg17[%swap3A_184], %broadcast_in_dim3A_8 {strides = array<i32>} : memref<10336xi32, #tpu.memory_space<vmem>>, vector<16xi32>,
      %swap3A_186 = arith.index_cast %add3A_183 : i32 to index
      %swap3A_187 = tpu.vector_load %arg18[%swap3A_186] {strides = array<i32>} : memref<10336xi32, #tpu.memory_space<vmem>>, vector<16xi32>,
      tpu.vector_store %arg18[%swap3A_186], %broadcast_in_dim3A_8 {strides = array<i32>} : memref<10336xi32, #tpu.memory_space<vmem>>, vector<16xi32>,
      %swap3A_188 = arith.index_cast %add3A_183 : i32 to index
      %swap3A_189 = tpu.vector_load %arg19[%swap3A_188] {strides = array<i32>} : memref<10336xi32, #tpu.memory_space<vmem>>, vector<16xi32>,
      tpu.vector_store %arg19[%swap3A_188], %add3A_160 {strides = array<i32>} : memref<10336xi32, #tpu.memory_space<vmem>>, vector<16xi32>,
      %while3A_190 = arith.constant 0 : i32
      scf.yield %while3A_190 : i32
    }
    %scan3A_172 = arith.constant 0 : i32
    %scan3A_173 = arith.constant 0 : i32
    %scan3A_174 = arith.constant 8 : i32
    %scan3A_175 = arith.addi %scan3A_173, %scan3A_174 : i32
    %scan3A_176 = arith.constant 1 : i32
    %scan3A_177 = scf.for %scan3A_179 = %scan3A_173 to %scan3A_175 step %scan3A_176 iter_args(%scan3A_180 = %scan3A_172) -> (i32)  : i32 {
      %mul3A_181 = arith.constant 129 : i32
      %mul3A_182 = arith.muli %arg1, %mul3A_181 : i32
      "tpu.region"() ({
        %run_scoped3A = tpu.sem_alloc : memref<!tpu.dma_semaphore, #tpu.memory_space<semaphore_mem>>
        %dma_start3A_222 = arith.constant 0 : i32
        %dma_start3A_223 = tpu.memref_slice %arg13[%mul3A_182, %dma_start3A_222] : memref<2064x128xf32, #tpu.memory_space<vmem_shared>> -> memref<129x128xf32, #tpu.memory_space<vmem_shared>>
        %dma_start3A_224 = arith.constant 0 : i32
        %dma_start3A_225 = tpu.memref_slice %arg13[%mul3A_182, %dma_start3A_224] : memref<2064x128xf32, #tpu.memory_space<vmem_shared>> -> memref<129x128xf32, #tpu.memory_space<vmem_shared>>
        tpu.enqueue_dma source(%arg30 : memref<129x128xf32, #tpu.memory_space<vmem>>) target(%dma_start3A_225 : memref<129x128xf32, #tpu.memory_space<vmem_shared>>) target_semaphore(%run_scoped3A : memref<!tpu.dma_semaphore, #tpu.memory_space<semaphore_mem>>)
        %dma_wait3A_226 = arith.constant 0 : i32
        %dma_wait3A_227 = tpu.memref_slice %arg13[%mul3A_182, %dma_wait3A_226] : memref<2064x128xf32, #tpu.memory_space<vmem_shared>> -> memref<129x128xf32, #tpu.memory_space<vmem_shared>>
        %dma_wait3A_228 = arith.constant 0 : i32
        %dma_wait3A_229 = tpu.memref_slice %arg13[%mul3A_182, %dma_wait3A_228] : memref<2064x128xf32, #tpu.memory_space<vmem_shared>> -> memref<129x128xf32, #tpu.memory_space<vmem_shared>>
        tpu.wait_dma2 semaphore(%run_scoped3A : memref<!tpu.dma_semaphore, #tpu.memory_space<semaphore_mem>>) src(%arg30 : memref<129x128xf32, #tpu.memory_space<vmem>>) dst(%dma_wait3A_229 : memref<129x128xf32, #tpu.memory_space<vmem_shared>>)
        tpu.yield
      }) : () -> ()
      "tpu.region"() ({
        %run_scoped3A = tpu.sem_alloc : memref<!tpu.dma_semaphore, #tpu.memory_space<semaphore_mem>>
        %dma_start3A_222 = arith.constant 0 : i32
        %dma_start3A_223 = tpu.memref_slice %arg14[%mul3A_182, %dma_start3A_222] : memref<2064x16xf32, #tpu.memory_space<vmem_shared>> -> memref<129x16xf32, #tpu.memory_space<vmem_shared>>
        %dma_start3A_224 = arith.constant 0 : i32
        %dma_start3A_225 = tpu.memref_slice %arg14[%mul3A_182, %dma_start3A_224] : memref<2064x16xf32, #tpu.memory_space<vmem_shared>> -> memref<129x16xf32, #tpu.memory_space<vmem_shared>>
        tpu.enqueue_dma source(%arg31 : memref<129x16xf32, #tpu.memory_space<vmem>>) target(%dma_start3A_225 : memref<129x16xf32, #tpu.memory_space<vmem_shared>>) target_semaphore(%run_scoped3A : memref<!tpu.dma_semaphore, #tpu.memory_space<semaphore_mem>>)
        %dma_wait3A_226 = arith.constant 0 : i32
        %dma_wait3A_227 = tpu.memref_slice %arg14[%mul3A_182, %dma_wait3A_226] : memref<2064x16xf32, #tpu.memory_space<vmem_shared>> -> memref<129x16xf32, #tpu.memory_space<vmem_shared>>
        %dma_wait3A_228 = arith.constant 0 : i32
        %dma_wait3A_229 = tpu.memref_slice %arg14[%mul3A_182, %dma_wait3A_228] : memref<2064x16xf32, #tpu.memory_space<vmem_shared>> -> memref<129x16xf32, #tpu.memory_space<vmem_shared>>
        tpu.wait_dma2 semaphore(%run_scoped3A : memref<!tpu.dma_semaphore, #tpu.memory_space<semaphore_mem>>) src(%arg31 : memref<129x16xf32, #tpu.memory_space<vmem>>) dst(%dma_wait3A_229 : memref<129x16xf32, #tpu.memory_space<vmem_shared>>)
        tpu.yield
      }) : () -> ()
      %barrier3A = arith.constant 0 : index
      tpu.barrier barrier_id(%barrier3A)
      %mul3A_183 = arith.constant 10000 : i32
      %mul3A_184 = arith.muli %scan3A_179, %mul3A_183 : i32
      %while3A_185 = arith.constant 0 : i32
      %while3A_186 = arith.constant 0 : i32
      %while3A_187 = arith.subi %select_n3A, %while3A_185 : i32
      %while3A_188 = arith.addi %while3A_185, %while3A_187 : i32
      %while3A_189 = arith.constant 1 : i32
      %while3A_190 = arith.divsi %while3A_187, %while3A_189 : i32
      %while3A_191 = arith.muli %while3A_190, %while3A_189 : i32
      %while3A_192 = arith.addi %while3A_185, %while3A_191 : i32
      %while3A_193 = arith.constant 1 : i32
      %while3A_194 = scf.for %while3A_222 = %while3A_185 to %while3A_192 step %while3A_193 iter_args(%while3A_223 = %while3A_186) -> (i32)  : i32 {
        %mul3A_224 = arith.constant 160 : i32
        %mul3A_225 = arith.muli %while3A_222, %mul3A_224 : i32
        %scan3A_226 = arith.constant 0 : i32
        %scan3A_227 = arith.constant 0 : i32
        %scan3A_228 = arith.constant 10 : i32
        %scan3A_229 = arith.addi %scan3A_227, %scan3A_228 : i32
        %scan3A_230 = arith.constant 1 : i32
        %scan3A_231 = scf.for %scan3A_259 = %scan3A_227 to %scan3A_229 step %scan3A_230 iter_args(%scan3A_260 = %scan3A_226) -> (i32)  : i32 {
          %mul3A_261 = arith.constant 16 : i32
          %mul3A_262 = arith.muli %mul3A_261, %scan3A_259 : i32
          %add3A_263 = arith.addi %mul3A_225, %mul3A_262 : i32
          %get3A_264 = arith.index_cast %add3A_263 : i32 to index
          %get3A_265 = tpu.vector_load %arg17[%get3A_264] {strides = array<i32>} : memref<10336xi32, #tpu.memory_space<vmem>>, vector<16xi32>,
          %add3A_266 = vector.broadcast %mul3A_184 : i32 to vector<16xi32>
          %add3A_267 = arith.addi %get3A_265, %add3A_266 : vector<16xi32>
          %mul3A_268 = arith.constant 16 : i32
          %mul3A_269 = arith.muli %mul3A_268, %scan3A_259 : i32
          %swap3A_270 = arith.index_cast %mul3A_269 : i32 to index
          %swap3A_271 = tpu.vector_load %arg22[%swap3A_270] {strides = array<i32>} : memref<160xi32, #tpu.memory_space<vmem>>, vector<16xi32>,
          tpu.vector_store %arg22[%swap3A_270], %add3A_267 {strides = array<i32>} : memref<160xi32, #tpu.memory_space<vmem>>, vector<16xi32>,
          %mul3A_272 = arith.constant 16 : i32
          %mul3A_273 = arith.muli %mul3A_272, %scan3A_259 : i32
          %add3A_274 = arith.addi %mul3A_225, %mul3A_273 : i32
          %get3A_275 = arith.index_cast %add3A_274 : i32 to index
          %get3A_276 = tpu.vector_load %arg18[%get3A_275] {strides = array<i32>} : memref<10336xi32, #tpu.memory_space<vmem>>, vector<16xi32>,
          %add3A_277 = vector.broadcast %mul3A_184 : i32 to vector<16xi32>
          %add3A_278 = arith.addi %get3A_276, %add3A_277 : vector<16xi32>
          %mul3A_279 = arith.constant 16 : i32
          %mul3A_280 = arith.muli %mul3A_279, %scan3A_259 : i32
          %swap3A_281 = arith.index_cast %mul3A_280 : i32 to index
          %swap3A_282 = tpu.vector_load %arg23[%swap3A_281] {strides = array<i32>} : memref<160xi32, #tpu.memory_space<vmem>>, vector<16xi32>,
          tpu.vector_store %arg23[%swap3A_281], %add3A_278 {strides = array<i32>} : memref<160xi32, #tpu.memory_space<vmem>>, vector<16xi32>,
          %mul3A_283 = arith.constant 16 : i32
          %mul3A_284 = arith.muli %mul3A_283, %scan3A_259 : i32
          %add3A_285 = arith.addi %mul3A_225, %mul3A_284 : i32
          %get3A_286 = arith.index_cast %add3A_285 : i32 to index
          %get3A_287 = tpu.vector_load %arg19[%get3A_286] {strides = array<i32>} : memref<10336xi32, #tpu.memory_space<vmem>>, vector<16xi32>,
          %mul3A_288 = arith.constant 16 : i32
          %mul3A_289 = arith.muli %mul3A_288, %scan3A_259 : i32
          %swap3A_290 = arith.index_cast %mul3A_289 : i32 to index
          %swap3A_291 = tpu.vector_load %arg24[%swap3A_290] {strides = array<i32>} : memref<160xi32, #tpu.memory_space<vmem>>, vector<16xi32>,
          tpu.vector_store %arg24[%swap3A_290], %get3A_287 {strides = array<i32>} : memref<160xi32, #tpu.memory_space<vmem>>, vector<16xi32>,
          %scan3A_292 = arith.constant 0 : i32
          scf.yield %scan3A_292 : i32
        }
        %scan3A_232 = arith.constant 10 : i32
        %dma_start3A_233 = arith.constant 0 : i32
        %dma_start3A_234 = arith.constant 0 : i32
        %dma_start3A_235 = tpu.memref_slice %arg4[%dma_start3A_233, %dma_start3A_234] : memref<80000x16xf32, #tpu.memory_space<hbm>> -> memref<80000x16xf32, #tpu.memory_space<hbm>>
        tpu.enqueue_indirect_dma source(%dma_start3A_235 : memref<80000x16xf32, #tpu.memory_space<hbm>>) target(%arg25 : memref<160x16xf32, #tpu.memory_space<vmem>>) offsets(%arg22 : memref<160xi32, #tpu.memory_space<vmem>>) semaphore(%arg35 : memref<!tpu.dma_semaphore, #tpu.memory_space<semaphore_mem>>)
        %dma_start3A_236 = arith.constant 0 : i32
        %dma_start3A_237 = arith.constant 0 : i32
        %dma_start3A_238 = tpu.memref_slice %arg5[%dma_start3A_236, %dma_start3A_237] : memref<80000x16xf32, #tpu.memory_space<hbm>> -> memref<80000x16xf32, #tpu.memory_space<hbm>>
        tpu.enqueue_indirect_dma source(%dma_start3A_238 : memref<80000x16xf32, #tpu.memory_space<hbm>>) target(%arg26 : memref<160x16xf32, #tpu.memory_space<vmem>>) offsets(%arg23 : memref<160xi32, #tpu.memory_space<vmem>>) semaphore(%arg35 : memref<!tpu.dma_semaphore, #tpu.memory_space<semaphore_mem>>)
        %dma_start3A_239 = arith.constant 0 : i32
        %dma_start3A_240 = arith.constant 0 : i32
        %dma_start3A_241 = tpu.memref_slice %arg6[%dma_start3A_239, %dma_start3A_240] : memref<80000x128xf32, #tpu.memory_space<hbm>> -> memref<80000x128xf32, #tpu.memory_space<hbm>>
        tpu.enqueue_indirect_dma source(%dma_start3A_241 : memref<80000x128xf32, #tpu.memory_space<hbm>>) target(%arg27 : memref<160x128xf32, #tpu.memory_space<vmem>>) offsets(%arg22 : memref<160xi32, #tpu.memory_space<vmem>>) semaphore(%arg35 : memref<!tpu.dma_semaphore, #tpu.memory_space<semaphore_mem>>)
        %dma_wait3A_242 = arith.constant 0 : i32
        %dma_wait3A_243 = arith.constant 0 : i32
        %dma_wait3A_244 = tpu.memref_slice %arg4[%dma_wait3A_242, %dma_wait3A_243] : memref<80000x16xf32, #tpu.memory_space<hbm>> -> memref<80000x16xf32, #tpu.memory_space<hbm>>
        tpu.wait_indirect_dma semaphore(%arg35 : memref<!tpu.dma_semaphore, #tpu.memory_space<semaphore_mem>>) src(%dma_wait3A_244 : memref<80000x16xf32, #tpu.memory_space<hbm>>) dst(%arg25 : memref<160x16xf32, #tpu.memory_space<vmem>>)
        %dma_wait3A_245 = arith.constant 0 : i32
        %dma_wait3A_246 = arith.constant 0 : i32
        %dma_wait3A_247 = tpu.memref_slice %arg5[%dma_wait3A_245, %dma_wait3A_246] : memref<80000x16xf32, #tpu.memory_space<hbm>> -> memref<80000x16xf32, #tpu.memory_space<hbm>>
        tpu.wait_indirect_dma semaphore(%arg35 : memref<!tpu.dma_semaphore, #tpu.memory_space<semaphore_mem>>) src(%dma_wait3A_247 : memref<80000x16xf32, #tpu.memory_space<hbm>>) dst(%arg26 : memref<160x16xf32, #tpu.memory_space<vmem>>)
        %dma_wait3A_248 = arith.constant 0 : i32
        %dma_wait3A_249 = arith.constant 0 : i32
        %dma_wait3A_250 = tpu.memref_slice %arg6[%dma_wait3A_248, %dma_wait3A_249] : memref<80000x128xf32, #tpu.memory_space<hbm>> -> memref<80000x128xf32, #tpu.memory_space<hbm>>
        tpu.wait_indirect_dma semaphore(%arg35 : memref<!tpu.dma_semaphore, #tpu.memory_space<semaphore_mem>>) src(%dma_wait3A_250 : memref<80000x128xf32, #tpu.memory_space<hbm>>) dst(%arg27 : memref<160x128xf32, #tpu.memory_space<vmem>>)
        %scan3A_251 = arith.constant 0 : i32
        %scan3A_252 = arith.constant 0 : i32
        %scan3A_253 = arith.constant 160 : i32
        %scan3A_254 = arith.addi %scan3A_252, %scan3A_253 : i32
        %scan3A_255 = arith.constant 1 : i32
        %scan3A_256 = scf.for %scan3A_259 = %scan3A_252 to %scan3A_254 step %scan3A_255 iter_args(%scan3A_260 = %scan3A_251) -> (i32)  : i32 {
          %get3A_261 = arith.index_cast %scan3A_259 : i32 to index
          %get3A_262 = arith.constant 0 : index
          %get3A_263 = tpu.vector_load %arg25[%get3A_261, %get3A_262] {strides = array<i32>} : memref<160x16xf32, #tpu.memory_space<vmem>>, vector<16xf32>,
          %get3A_264 = arith.index_cast %scan3A_259 : i32 to index
          %get3A_265 = arith.constant 0 : index
          %get3A_266 = tpu.vector_load %arg26[%get3A_264, %get3A_265] {strides = array<i32>} : memref<160x16xf32, #tpu.memory_space<vmem>>, vector<16xf32>,
          %add3A_267 = arith.addf %get3A_263, %get3A_266 : vector<16xf32>
          %mul3A_268 = arith.constant 2.000000e-01 : f32
          %mul3A_269 = vector.broadcast %mul3A_268 : f32 to vector<16xf32>
          %mul3A_270 = arith.mulf %mul3A_269, %add3A_267 : vector<16xf32>
          %max3A = arith.maximumf %add3A_267, %mul3A_270 : vector<16xf32>
          %add3A_271 = arith.addf %get3A_5, %get3A_266 : vector<16xf32>
          %mul3A_272 = arith.constant 2.000000e-01 : f32
          %mul3A_273 = vector.broadcast %mul3A_272 : f32 to vector<16xf32>
          %mul3A_274 = arith.mulf %mul3A_273, %add3A_271 : vector<16xf32>
          %max3A_275 = arith.maximumf %add3A_271, %mul3A_274 : vector<16xf32>
          %sub3A_276 = arith.subf %max3A, %max3A_275 : vector<16xf32>
          %exp3A = math.exp %sub3A_276 : vector<16xf32>
          %swap3A_277 = arith.index_cast %scan3A_259 : i32 to index
          %swap3A_278 = arith.constant 0 : index
          %swap3A_279 = tpu.vector_load %arg28[%swap3A_277, %swap3A_278] {strides = array<i32>} : memref<160x16xf32, #tpu.memory_space<vmem>>, vector<16xf32>,
          tpu.vector_store %arg28[%swap3A_277, %swap3A_278], %exp3A {strides = array<i32>} : memref<160x16xf32, #tpu.memory_space<vmem>>, vector<16xf32>,
          %slice3A = vector.extract_strided_slice %exp3A {offsets = [0], sizes = [1], strides = [1]} : vector<16xf32> to vector<1xf32>
          %squeeze3A = vector.extract %slice3A[0] : f32 from vector<1xf32>
          %get3A_280 = arith.index_cast %scan3A_259 : i32 to index
          %get3A_281 = arith.constant 0 : index
          %get3A_282 = tpu.vector_load %arg27[%get3A_280, %get3A_281] {strides = array<i32>} : memref<160x128xf32, #tpu.memory_space<vmem>>, vector<16xf32>,
          %mul3A_283 = vector.broadcast %squeeze3A : f32 to vector<16xf32>
          %mul3A_284 = arith.mulf %mul3A_283, %get3A_282 : vector<16xf32>
          %swap3A_285 = arith.index_cast %scan3A_259 : i32 to index
          %swap3A_286 = arith.constant 0 : index
          %swap3A_287 = tpu.vector_load %arg27[%swap3A_285, %swap3A_286] {strides = array<i32>} : memref<160x128xf32, #tpu.memory_space<vmem>>, vector<16xf32>,
          tpu.vector_store %arg27[%swap3A_285, %swap3A_286], %mul3A_284 {strides = array<i32>} : memref<160x128xf32, #tpu.memory_space<vmem>>, vector<16xf32>,
          %slice3A_288 = vector.extract_strided_slice %exp3A {offsets = [1], sizes = [1], strides = [1]} : vector<16xf32> to vector<1xf32>
          %squeeze3A_289 = vector.extract %slice3A_288[0] : f32 from vector<1xf32>
          %get3A_290 = arith.index_cast %scan3A_259 : i32 to index
          %get3A_291 = arith.constant 16 : index
          %get3A_292 = tpu.vector_load %arg27[%get3A_290, %get3A_291] {strides = array<i32>} : memref<160x128xf32, #tpu.memory_space<vmem>>, vector<16xf32>,
          %mul3A_293 = vector.broadcast %squeeze3A_289 : f32 to vector<16xf32>
          %mul3A_294 = arith.mulf %mul3A_293, %get3A_292 : vector<16xf32>
          %swap3A_295 = arith.index_cast %scan3A_259 : i32 to index
          %swap3A_296 = arith.constant 16 : index
          %swap3A_297 = tpu.vector_load %arg27[%swap3A_295, %swap3A_296] {strides = array<i32>} : memref<160x128xf32, #tpu.memory_space<vmem>>, vector<16xf32>,
          tpu.vector_store %arg27[%swap3A_295, %swap3A_296], %mul3A_294 {strides = array<i32>} : memref<160x128xf32, #tpu.memory_space<vmem>>, vector<16xf32>,
          %slice3A_298 = vector.extract_strided_slice %exp3A {offsets = [2], sizes = [1], strides = [1]} : vector<16xf32> to vector<1xf32>
          %squeeze3A_299 = vector.extract %slice3A_298[0] : f32 from vector<1xf32>
          %get3A_300 = arith.index_cast %scan3A_259 : i32 to index
          %get3A_301 = arith.constant 32 : index
          %get3A_302 = tpu.vector_load %arg27[%get3A_300, %get3A_301] {strides = array<i32>} : memref<160x128xf32, #tpu.memory_space<vmem>>, vector<16xf32>,
          %mul3A_303 = vector.broadcast %squeeze3A_299 : f32 to vector<16xf32>
          %mul3A_304 = arith.mulf %mul3A_303, %get3A_302 : vector<16xf32>
          %swap3A_305 = arith.index_cast %scan3A_259 : i32 to index
          %swap3A_306 = arith.constant 32 : index
          %swap3A_307 = tpu.vector_load %arg27[%swap3A_305, %swap3A_306] {strides = array<i32>} : memref<160x128xf32, #tpu.memory_space<vmem>>, vector<16xf32>,
          tpu.vector_store %arg27[%swap3A_305, %swap3A_306], %mul3A_304 {strides = array<i32>} : memref<160x128xf32, #tpu.memory_space<vmem>>, vector<16xf32>,
          %slice3A_308 = vector.extract_strided_slice %exp3A {offsets = [3], sizes = [1], strides = [1]} : vector<16xf32> to vector<1xf32>
          %squeeze3A_309 = vector.extract %slice3A_308[0] : f32 from vector<1xf32>
          %get3A_310 = arith.index_cast %scan3A_259 : i32 to index
          %get3A_311 = arith.constant 48 : index
          %get3A_312 = tpu.vector_load %arg27[%get3A_310, %get3A_311] {strides = array<i32>} : memref<160x128xf32, #tpu.memory_space<vmem>>, vector<16xf32>,
          %mul3A_313 = vector.broadcast %squeeze3A_309 : f32 to vector<16xf32>
          %mul3A_314 = arith.mulf %mul3A_313, %get3A_312 : vector<16xf32>
          %swap3A_315 = arith.index_cast %scan3A_259 : i32 to index
          %swap3A_316 = arith.constant 48 : index
          %swap3A_317 = tpu.vector_load %arg27[%swap3A_315, %swap3A_316] {strides = array<i32>} : memref<160x128xf32, #tpu.memory_space<vmem>>, vector<16xf32>,
          tpu.vector_store %arg27[%swap3A_315, %swap3A_316], %mul3A_314 {strides = array<i32>} : memref<160x128xf32, #tpu.memory_space<vmem>>, vector<16xf32>,
          %slice3A_318 = vector.extract_strided_slice %exp3A {offsets = [4], sizes = [1], strides = [1]} : vector<16xf32> to vector<1xf32>
          %squeeze3A_319 = vector.extract %slice3A_318[0] : f32 from vector<1xf32>
          %get3A_320 = arith.index_cast %scan3A_259 : i32 to index
          %get3A_321 = arith.constant 64 : index
          %get3A_322 = tpu.vector_load %arg27[%get3A_320, %get3A_321] {strides = array<i32>} : memref<160x128xf32, #tpu.memory_space<vmem>>, vector<16xf32>,
          %mul3A_323 = vector.broadcast %squeeze3A_319 : f32 to vector<16xf32>
          %mul3A_324 = arith.mulf %mul3A_323, %get3A_322 : vector<16xf32>
          %swap3A_325 = arith.index_cast %scan3A_259 : i32 to index
          %swap3A_326 = arith.constant 64 : index
          %swap3A_327 = tpu.vector_load %arg27[%swap3A_325, %swap3A_326] {strides = array<i32>} : memref<160x128xf32, #tpu.memory_space<vmem>>, vector<16xf32>,
          tpu.vector_store %arg27[%swap3A_325, %swap3A_326], %mul3A_324 {strides = array<i32>} : memref<160x128xf32, #tpu.memory_space<vmem>>, vector<16xf32>,
          %slice3A_328 = vector.extract_strided_slice %exp3A {offsets = [5], sizes = [1], strides = [1]} : vector<16xf32> to vector<1xf32>
          %squeeze3A_329 = vector.extract %slice3A_328[0] : f32 from vector<1xf32>
          %get3A_330 = arith.index_cast %scan3A_259 : i32 to index
          %get3A_331 = arith.constant 80 : index
          %get3A_332 = tpu.vector_load %arg27[%get3A_330, %get3A_331] {strides = array<i32>} : memref<160x128xf32, #tpu.memory_space<vmem>>, vector<16xf32>,
          %mul3A_333 = vector.broadcast %squeeze3A_329 : f32 to vector<16xf32>
          %mul3A_334 = arith.mulf %mul3A_333, %get3A_332 : vector<16xf32>
          %swap3A_335 = arith.index_cast %scan3A_259 : i32 to index
          %swap3A_336 = arith.constant 80 : index
          %swap3A_337 = tpu.vector_load %arg27[%swap3A_335, %swap3A_336] {strides = array<i32>} : memref<160x128xf32, #tpu.memory_space<vmem>>, vector<16xf32>,
          tpu.vector_store %arg27[%swap3A_335, %swap3A_336], %mul3A_334 {strides = array<i32>} : memref<160x128xf32, #tpu.memory_space<vmem>>, vector<16xf32>,
          %slice3A_338 = vector.extract_strided_slice %exp3A {offsets = [6], sizes = [1], strides = [1]} : vector<16xf32> to vector<1xf32>
          %squeeze3A_339 = vector.extract %slice3A_338[0] : f32 from vector<1xf32>
          %get3A_340 = arith.index_cast %scan3A_259 : i32 to index
          %get3A_341 = arith.constant 96 : index
          %get3A_342 = tpu.vector_load %arg27[%get3A_340, %get3A_341] {strides = array<i32>} : memref<160x128xf32, #tpu.memory_space<vmem>>, vector<16xf32>,
          %mul3A_343 = vector.broadcast %squeeze3A_339 : f32 to vector<16xf32>
          %mul3A_344 = arith.mulf %mul3A_343, %get3A_342 : vector<16xf32>
          %swap3A_345 = arith.index_cast %scan3A_259 : i32 to index
          %swap3A_346 = arith.constant 96 : index
          %swap3A_347 = tpu.vector_load %arg27[%swap3A_345, %swap3A_346] {strides = array<i32>} : memref<160x128xf32, #tpu.memory_space<vmem>>, vector<16xf32>,
          tpu.vector_store %arg27[%swap3A_345, %swap3A_346], %mul3A_344 {strides = array<i32>} : memref<160x128xf32, #tpu.memory_space<vmem>>, vector<16xf32>,
          %slice3A_348 = vector.extract_strided_slice %exp3A {offsets = [7], sizes = [1], strides = [1]} : vector<16xf32> to vector<1xf32>
          %squeeze3A_349 = vector.extract %slice3A_348[0] : f32 from vector<1xf32>
          %get3A_350 = arith.index_cast %scan3A_259 : i32 to index
          %get3A_351 = arith.constant 112 : index
          %get3A_352 = tpu.vector_load %arg27[%get3A_350, %get3A_351] {strides = array<i32>} : memref<160x128xf32, #tpu.memory_space<vmem>>, vector<16xf32>,
          %mul3A_353 = vector.broadcast %squeeze3A_349 : f32 to vector<16xf32>
          %mul3A_354 = arith.mulf %mul3A_353, %get3A_352 : vector<16xf32>
          %swap3A_355 = arith.index_cast %scan3A_259 : i32 to index
          %swap3A_356 = arith.constant 112 : index
          %swap3A_357 = tpu.vector_load %arg27[%swap3A_355, %swap3A_356] {strides = array<i32>} : memref<160x128xf32, #tpu.memory_space<vmem>>, vector<16xf32>,
          tpu.vector_store %arg27[%swap3A_355, %swap3A_356], %mul3A_354 {strides = array<i32>} : memref<160x128xf32, #tpu.memory_space<vmem>>, vector<16xf32>,
          %scan3A_358 = arith.constant 0 : i32
          scf.yield %scan3A_358 : i32
        }
        %scan3A_257 = arith.constant 160 : i32
        "tpu.region"() ({
          %run_scoped3A = tpu.sem_alloc : memref<!tpu.dma_semaphore, #tpu.memory_space<semaphore_mem>>
          %dma_start3A_259 = arith.constant 0 : i32
          %dma_start3A_260 = arith.constant 0 : i32
          %dma_start3A_261 = tpu.memref_slice %arg13[%dma_start3A_259, %dma_start3A_260] : memref<2064x128xf32, #tpu.memory_space<vmem_shared>> -> memref<2064x128xf32, #tpu.memory_space<vmem_shared>>
          tpu.enqueue_indirect_dma source(%arg27 : memref<160x128xf32, #tpu.memory_space<vmem>>) target(%dma_start3A_261 : memref<2064x128xf32, #tpu.memory_space<vmem_shared>>) offsets(%arg24 : memref<160xi32, #tpu.memory_space<vmem>>) semaphore(%run_scoped3A : memref<!tpu.dma_semaphore, #tpu.memory_space<semaphore_mem>>) {add = true}
          %dma_wait3A_262 = arith.constant 0 : i32
          %dma_wait3A_263 = arith.constant 0 : i32
          %dma_wait3A_264 = tpu.memref_slice %arg13[%dma_wait3A_262, %dma_wait3A_263] : memref<2064x128xf32, #tpu.memory_space<vmem_shared>> -> memref<2064x128xf32, #tpu.memory_space<vmem_shared>>
          tpu.wait_indirect_dma semaphore(%run_scoped3A : memref<!tpu.dma_semaphore, #tpu.memory_space<semaphore_mem>>) src(%arg27 : memref<160x128xf32, #tpu.memory_space<vmem>>) dst(%dma_wait3A_264 : memref<2064x128xf32, #tpu.memory_space<vmem_shared>>)
          tpu.yield
        }) : () -> ()
        "tpu.region"() ({
          %run_scoped3A = tpu.sem_alloc : memref<!tpu.dma_semaphore, #tpu.memory_space<semaphore_mem>>
          %dma_start3A_259 = arith.constant 0 : i32
          %dma_start3A_260 = arith.constant 0 : i32
          %dma_start3A_261 = tpu.memref_slice %arg14[%dma_start3A_259, %dma_start3A_260] : memref<2064x16xf32, #tpu.memory_space<vmem_shared>> -> memref<2064x16xf32, #tpu.memory_space<vmem_shared>>
          tpu.enqueue_indirect_dma source(%arg28 : memref<160x16xf32, #tpu.memory_space<vmem>>) target(%dma_start3A_261 : memref<2064x16xf32, #tpu.memory_space<vmem_shared>>) offsets(%arg24 : memref<160xi32, #tpu.memory_space<vmem>>) semaphore(%run_scoped3A : memref<!tpu.dma_semaphore, #tpu.memory_space<semaphore_mem>>) {add = true}
          %dma_wait3A_262 = arith.constant 0 : i32
          %dma_wait3A_263 = arith.constant 0 : i32
          %dma_wait3A_264 = tpu.memref_slice %arg14[%dma_wait3A_262, %dma_wait3A_263] : memref<2064x16xf32, #tpu.memory_space<vmem_shared>> -> memref<2064x16xf32, #tpu.memory_space<vmem_shared>>
          tpu.wait_indirect_dma semaphore(%run_scoped3A : memref<!tpu.dma_semaphore, #tpu.memory_space<semaphore_mem>>) src(%arg28 : memref<160x16xf32, #tpu.memory_space<vmem>>) dst(%dma_wait3A_264 : memref<2064x16xf32, #tpu.memory_space<vmem_shared>>)
          tpu.yield
        }) : () -> ()
        %while3A_258 = arith.constant 0 : i32
        scf.yield %while3A_258 : i32
      }
      %while3A_195 = arith.constant 1 : i32
      %while3A_196 = scf.for %while3A_222 = %while3A_192 to %while3A_188 step %while3A_195 iter_args(%while3A_223 = %while3A_194) -> (i32)  : i32 {
        %mul3A_224 = arith.constant 160 : i32
        %mul3A_225 = arith.muli %while3A_222, %mul3A_224 : i32
        %scan3A_226 = arith.constant 0 : i32
        %scan3A_227 = arith.constant 0 : i32
        %scan3A_228 = arith.constant 10 : i32
        %scan3A_229 = arith.addi %scan3A_227, %scan3A_228 : i32
        %scan3A_230 = arith.constant 1 : i32
        %scan3A_231 = scf.for %scan3A_259 = %scan3A_227 to %scan3A_229 step %scan3A_230 iter_args(%scan3A_260 = %scan3A_226) -> (i32)  : i32 {
          %mul3A_261 = arith.constant 16 : i32
          %mul3A_262 = arith.muli %mul3A_261, %scan3A_259 : i32
          %add3A_263 = arith.addi %mul3A_225, %mul3A_262 : i32
          %get3A_264 = arith.index_cast %add3A_263 : i32 to index
          %get3A_265 = tpu.vector_load %arg17[%get3A_264] {strides = array<i32>} : memref<10336xi32, #tpu.memory_space<vmem>>, vector<16xi32>,
          %add3A_266 = vector.broadcast %mul3A_184 : i32 to vector<16xi32>
          %add3A_267 = arith.addi %get3A_265, %add3A_266 : vector<16xi32>
          %mul3A_268 = arith.constant 16 : i32
          %mul3A_269 = arith.muli %mul3A_268, %scan3A_259 : i32
          %swap3A_270 = arith.index_cast %mul3A_269 : i32 to index
          %swap3A_271 = tpu.vector_load %arg22[%swap3A_270] {strides = array<i32>} : memref<160xi32, #tpu.memory_space<vmem>>, vector<16xi32>,
          tpu.vector_store %arg22[%swap3A_270], %add3A_267 {strides = array<i32>} : memref<160xi32, #tpu.memory_space<vmem>>, vector<16xi32>,
          %mul3A_272 = arith.constant 16 : i32
          %mul3A_273 = arith.muli %mul3A_272, %scan3A_259 : i32
          %add3A_274 = arith.addi %mul3A_225, %mul3A_273 : i32
          %get3A_275 = arith.index_cast %add3A_274 : i32 to index
          %get3A_276 = tpu.vector_load %arg18[%get3A_275] {strides = array<i32>} : memref<10336xi32, #tpu.memory_space<vmem>>, vector<16xi32>,
          %add3A_277 = vector.broadcast %mul3A_184 : i32 to vector<16xi32>
          %add3A_278 = arith.addi %get3A_276, %add3A_277 : vector<16xi32>
          %mul3A_279 = arith.constant 16 : i32
          %mul3A_280 = arith.muli %mul3A_279, %scan3A_259 : i32
          %swap3A_281 = arith.index_cast %mul3A_280 : i32 to index
          %swap3A_282 = tpu.vector_load %arg23[%swap3A_281] {strides = array<i32>} : memref<160xi32, #tpu.memory_space<vmem>>, vector<16xi32>,
          tpu.vector_store %arg23[%swap3A_281], %add3A_278 {strides = array<i32>} : memref<160xi32, #tpu.memory_space<vmem>>, vector<16xi32>,
          %mul3A_283 = arith.constant 16 : i32
          %mul3A_284 = arith.muli %mul3A_283, %scan3A_259 : i32
          %add3A_285 = arith.addi %mul3A_225, %mul3A_284 : i32
          %get3A_286 = arith.index_cast %add3A_285 : i32 to index
          %get3A_287 = tpu.vector_load %arg19[%get3A_286] {strides = array<i32>} : memref<10336xi32, #tpu.memory_space<vmem>>, vector<16xi32>,
          %mul3A_288 = arith.constant 16 : i32
          %mul3A_289 = arith.muli %mul3A_288, %scan3A_259 : i32
          %swap3A_290 = arith.index_cast %mul3A_289 : i32 to index
          %swap3A_291 = tpu.vector_load %arg24[%swap3A_290] {strides = array<i32>} : memref<160xi32, #tpu.memory_space<vmem>>, vector<16xi32>,
          tpu.vector_store %arg24[%swap3A_290], %get3A_287 {strides = array<i32>} : memref<160xi32, #tpu.memory_space<vmem>>, vector<16xi32>,
          %scan3A_292 = arith.constant 0 : i32
          scf.yield %scan3A_292 : i32
        }
        %scan3A_232 = arith.constant 10 : i32
        %dma_start3A_233 = arith.constant 0 : i32
        %dma_start3A_234 = arith.constant 0 : i32
        %dma_start3A_235 = tpu.memref_slice %arg4[%dma_start3A_233, %dma_start3A_234] : memref<80000x16xf32, #tpu.memory_space<hbm>> -> memref<80000x16xf32, #tpu.memory_space<hbm>>
        tpu.enqueue_indirect_dma source(%dma_start3A_235 : memref<80000x16xf32, #tpu.memory_space<hbm>>) target(%arg25 : memref<160x16xf32, #tpu.memory_space<vmem>>) offsets(%arg22 : memref<160xi32, #tpu.memory_space<vmem>>) semaphore(%arg35 : memref<!tpu.dma_semaphore, #tpu.memory_space<semaphore_mem>>)
        %dma_start3A_236 = arith.constant 0 : i32
        %dma_start3A_237 = arith.constant 0 : i32
        %dma_start3A_238 = tpu.memref_slice %arg5[%dma_start3A_236, %dma_start3A_237] : memref<80000x16xf32, #tpu.memory_space<hbm>> -> memref<80000x16xf32, #tpu.memory_space<hbm>>
        tpu.enqueue_indirect_dma source(%dma_start3A_238 : memref<80000x16xf32, #tpu.memory_space<hbm>>) target(%arg26 : memref<160x16xf32, #tpu.memory_space<vmem>>) offsets(%arg23 : memref<160xi32, #tpu.memory_space<vmem>>) semaphore(%arg35 : memref<!tpu.dma_semaphore, #tpu.memory_space<semaphore_mem>>)
        %dma_start3A_239 = arith.constant 0 : i32
        %dma_start3A_240 = arith.constant 0 : i32
        %dma_start3A_241 = tpu.memref_slice %arg6[%dma_start3A_239, %dma_start3A_240] : memref<80000x128xf32, #tpu.memory_space<hbm>> -> memref<80000x128xf32, #tpu.memory_space<hbm>>
        tpu.enqueue_indirect_dma source(%dma_start3A_241 : memref<80000x128xf32, #tpu.memory_space<hbm>>) target(%arg27 : memref<160x128xf32, #tpu.memory_space<vmem>>) offsets(%arg22 : memref<160xi32, #tpu.memory_space<vmem>>) semaphore(%arg35 : memref<!tpu.dma_semaphore, #tpu.memory_space<semaphore_mem>>)
        %dma_wait3A_242 = arith.constant 0 : i32
        %dma_wait3A_243 = arith.constant 0 : i32
        %dma_wait3A_244 = tpu.memref_slice %arg4[%dma_wait3A_242, %dma_wait3A_243] : memref<80000x16xf32, #tpu.memory_space<hbm>> -> memref<80000x16xf32, #tpu.memory_space<hbm>>
        tpu.wait_indirect_dma semaphore(%arg35 : memref<!tpu.dma_semaphore, #tpu.memory_space<semaphore_mem>>) src(%dma_wait3A_244 : memref<80000x16xf32, #tpu.memory_space<hbm>>) dst(%arg25 : memref<160x16xf32, #tpu.memory_space<vmem>>)
        %dma_wait3A_245 = arith.constant 0 : i32
        %dma_wait3A_246 = arith.constant 0 : i32
        %dma_wait3A_247 = tpu.memref_slice %arg5[%dma_wait3A_245, %dma_wait3A_246] : memref<80000x16xf32, #tpu.memory_space<hbm>> -> memref<80000x16xf32, #tpu.memory_space<hbm>>
        tpu.wait_indirect_dma semaphore(%arg35 : memref<!tpu.dma_semaphore, #tpu.memory_space<semaphore_mem>>) src(%dma_wait3A_247 : memref<80000x16xf32, #tpu.memory_space<hbm>>) dst(%arg26 : memref<160x16xf32, #tpu.memory_space<vmem>>)
        %dma_wait3A_248 = arith.constant 0 : i32
        %dma_wait3A_249 = arith.constant 0 : i32
        %dma_wait3A_250 = tpu.memref_slice %arg6[%dma_wait3A_248, %dma_wait3A_249] : memref<80000x128xf32, #tpu.memory_space<hbm>> -> memref<80000x128xf32, #tpu.memory_space<hbm>>
        tpu.wait_indirect_dma semaphore(%arg35 : memref<!tpu.dma_semaphore, #tpu.memory_space<semaphore_mem>>) src(%dma_wait3A_250 : memref<80000x128xf32, #tpu.memory_space<hbm>>) dst(%arg27 : memref<160x128xf32, #tpu.memory_space<vmem>>)
        %scan3A_251 = arith.constant 0 : i32
        %scan3A_252 = arith.constant 0 : i32
        %scan3A_253 = arith.constant 160 : i32
        %scan3A_254 = arith.addi %scan3A_252, %scan3A_253 : i32
        %scan3A_255 = arith.constant 1 : i32
        %scan3A_256 = scf.for %scan3A_259 = %scan3A_252 to %scan3A_254 step %scan3A_255 iter_args(%scan3A_260 = %scan3A_251) -> (i32)  : i32 {
          %get3A_261 = arith.index_cast %scan3A_259 : i32 to index
          %get3A_262 = arith.constant 0 : index
          %get3A_263 = tpu.vector_load %arg25[%get3A_261, %get3A_262] {strides = array<i32>} : memref<160x16xf32, #tpu.memory_space<vmem>>, vector<16xf32>,
          %get3A_264 = arith.index_cast %scan3A_259 : i32 to index
          %get3A_265 = arith.constant 0 : index
          %get3A_266 = tpu.vector_load %arg26[%get3A_264, %get3A_265] {strides = array<i32>} : memref<160x16xf32, #tpu.memory_space<vmem>>, vector<16xf32>,
          %add3A_267 = arith.addf %get3A_263, %get3A_266 : vector<16xf32>
          %mul3A_268 = arith.constant 2.000000e-01 : f32
          %mul3A_269 = vector.broadcast %mul3A_268 : f32 to vector<16xf32>
          %mul3A_270 = arith.mulf %mul3A_269, %add3A_267 : vector<16xf32>
          %max3A = arith.maximumf %add3A_267, %mul3A_270 : vector<16xf32>
          %add3A_271 = arith.addf %get3A_5, %get3A_266 : vector<16xf32>
          %mul3A_272 = arith.constant 2.000000e-01 : f32
          %mul3A_273 = vector.broadcast %mul3A_272 : f32 to vector<16xf32>
          %mul3A_274 = arith.mulf %mul3A_273, %add3A_271 : vector<16xf32>
          %max3A_275 = arith.maximumf %add3A_271, %mul3A_274 : vector<16xf32>
          %sub3A_276 = arith.subf %max3A, %max3A_275 : vector<16xf32>
          %exp3A = math.exp %sub3A_276 : vector<16xf32>
          %swap3A_277 = arith.index_cast %scan3A_259 : i32 to index
          %swap3A_278 = arith.constant 0 : index
          %swap3A_279 = tpu.vector_load %arg28[%swap3A_277, %swap3A_278] {strides = array<i32>} : memref<160x16xf32, #tpu.memory_space<vmem>>, vector<16xf32>,
          tpu.vector_store %arg28[%swap3A_277, %swap3A_278], %exp3A {strides = array<i32>} : memref<160x16xf32, #tpu.memory_space<vmem>>, vector<16xf32>,
          %slice3A = vector.extract_strided_slice %exp3A {offsets = [0], sizes = [1], strides = [1]} : vector<16xf32> to vector<1xf32>
          %squeeze3A = vector.extract %slice3A[0] : f32 from vector<1xf32>
          %get3A_280 = arith.index_cast %scan3A_259 : i32 to index
          %get3A_281 = arith.constant 0 : index
          %get3A_282 = tpu.vector_load %arg27[%get3A_280, %get3A_281] {strides = array<i32>} : memref<160x128xf32, #tpu.memory_space<vmem>>, vector<16xf32>,
          %mul3A_283 = vector.broadcast %squeeze3A : f32 to vector<16xf32>
          %mul3A_284 = arith.mulf %mul3A_283, %get3A_282 : vector<16xf32>
          %swap3A_285 = arith.index_cast %scan3A_259 : i32 to index
          %swap3A_286 = arith.constant 0 : index
          %swap3A_287 = tpu.vector_load %arg27[%swap3A_285, %swap3A_286] {strides = array<i32>} : memref<160x128xf32, #tpu.memory_space<vmem>>, vector<16xf32>,
          tpu.vector_store %arg27[%swap3A_285, %swap3A_286], %mul3A_284 {strides = array<i32>} : memref<160x128xf32, #tpu.memory_space<vmem>>, vector<16xf32>,
          %slice3A_288 = vector.extract_strided_slice %exp3A {offsets = [1], sizes = [1], strides = [1]} : vector<16xf32> to vector<1xf32>
          %squeeze3A_289 = vector.extract %slice3A_288[0] : f32 from vector<1xf32>
          %get3A_290 = arith.index_cast %scan3A_259 : i32 to index
          %get3A_291 = arith.constant 16 : index
          %get3A_292 = tpu.vector_load %arg27[%get3A_290, %get3A_291] {strides = array<i32>} : memref<160x128xf32, #tpu.memory_space<vmem>>, vector<16xf32>,
          %mul3A_293 = vector.broadcast %squeeze3A_289 : f32 to vector<16xf32>
          %mul3A_294 = arith.mulf %mul3A_293, %get3A_292 : vector<16xf32>
          %swap3A_295 = arith.index_cast %scan3A_259 : i32 to index
          %swap3A_296 = arith.constant 16 : index
          %swap3A_297 = tpu.vector_load %arg27[%swap3A_295, %swap3A_296] {strides = array<i32>} : memref<160x128xf32, #tpu.memory_space<vmem>>, vector<16xf32>,
          tpu.vector_store %arg27[%swap3A_295, %swap3A_296], %mul3A_294 {strides = array<i32>} : memref<160x128xf32, #tpu.memory_space<vmem>>, vector<16xf32>,
          %slice3A_298 = vector.extract_strided_slice %exp3A {offsets = [2], sizes = [1], strides = [1]} : vector<16xf32> to vector<1xf32>
          %squeeze3A_299 = vector.extract %slice3A_298[0] : f32 from vector<1xf32>
          %get3A_300 = arith.index_cast %scan3A_259 : i32 to index
          %get3A_301 = arith.constant 32 : index
          %get3A_302 = tpu.vector_load %arg27[%get3A_300, %get3A_301] {strides = array<i32>} : memref<160x128xf32, #tpu.memory_space<vmem>>, vector<16xf32>,
          %mul3A_303 = vector.broadcast %squeeze3A_299 : f32 to vector<16xf32>
          %mul3A_304 = arith.mulf %mul3A_303, %get3A_302 : vector<16xf32>
          %swap3A_305 = arith.index_cast %scan3A_259 : i32 to index
          %swap3A_306 = arith.constant 32 : index
          %swap3A_307 = tpu.vector_load %arg27[%swap3A_305, %swap3A_306] {strides = array<i32>} : memref<160x128xf32, #tpu.memory_space<vmem>>, vector<16xf32>,
          tpu.vector_store %arg27[%swap3A_305, %swap3A_306], %mul3A_304 {strides = array<i32>} : memref<160x128xf32, #tpu.memory_space<vmem>>, vector<16xf32>,
          %slice3A_308 = vector.extract_strided_slice %exp3A {offsets = [3], sizes = [1], strides = [1]} : vector<16xf32> to vector<1xf32>
          %squeeze3A_309 = vector.extract %slice3A_308[0] : f32 from vector<1xf32>
          %get3A_310 = arith.index_cast %scan3A_259 : i32 to index
          %get3A_311 = arith.constant 48 : index
          %get3A_312 = tpu.vector_load %arg27[%get3A_310, %get3A_311] {strides = array<i32>} : memref<160x128xf32, #tpu.memory_space<vmem>>, vector<16xf32>,
          %mul3A_313 = vector.broadcast %squeeze3A_309 : f32 to vector<16xf32>
          %mul3A_314 = arith.mulf %mul3A_313, %get3A_312 : vector<16xf32>
          %swap3A_315 = arith.index_cast %scan3A_259 : i32 to index
          %swap3A_316 = arith.constant 48 : index
          %swap3A_317 = tpu.vector_load %arg27[%swap3A_315, %swap3A_316] {strides = array<i32>} : memref<160x128xf32, #tpu.memory_space<vmem>>, vector<16xf32>,
          tpu.vector_store %arg27[%swap3A_315, %swap3A_316], %mul3A_314 {strides = array<i32>} : memref<160x128xf32, #tpu.memory_space<vmem>>, vector<16xf32>,
          %slice3A_318 = vector.extract_strided_slice %exp3A {offsets = [4], sizes = [1], strides = [1]} : vector<16xf32> to vector<1xf32>
          %squeeze3A_319 = vector.extract %slice3A_318[0] : f32 from vector<1xf32>
          %get3A_320 = arith.index_cast %scan3A_259 : i32 to index
          %get3A_321 = arith.constant 64 : index
          %get3A_322 = tpu.vector_load %arg27[%get3A_320, %get3A_321] {strides = array<i32>} : memref<160x128xf32, #tpu.memory_space<vmem>>, vector<16xf32>,
          %mul3A_323 = vector.broadcast %squeeze3A_319 : f32 to vector<16xf32>
          %mul3A_324 = arith.mulf %mul3A_323, %get3A_322 : vector<16xf32>
          %swap3A_325 = arith.index_cast %scan3A_259 : i32 to index
          %swap3A_326 = arith.constant 64 : index
          %swap3A_327 = tpu.vector_load %arg27[%swap3A_325, %swap3A_326] {strides = array<i32>} : memref<160x128xf32, #tpu.memory_space<vmem>>, vector<16xf32>,
          tpu.vector_store %arg27[%swap3A_325, %swap3A_326], %mul3A_324 {strides = array<i32>} : memref<160x128xf32, #tpu.memory_space<vmem>>, vector<16xf32>,
          %slice3A_328 = vector.extract_strided_slice %exp3A {offsets = [5], sizes = [1], strides = [1]} : vector<16xf32> to vector<1xf32>
          %squeeze3A_329 = vector.extract %slice3A_328[0] : f32 from vector<1xf32>
          %get3A_330 = arith.index_cast %scan3A_259 : i32 to index
          %get3A_331 = arith.constant 80 : index
          %get3A_332 = tpu.vector_load %arg27[%get3A_330, %get3A_331] {strides = array<i32>} : memref<160x128xf32, #tpu.memory_space<vmem>>, vector<16xf32>,
          %mul3A_333 = vector.broadcast %squeeze3A_329 : f32 to vector<16xf32>
          %mul3A_334 = arith.mulf %mul3A_333, %get3A_332 : vector<16xf32>
          %swap3A_335 = arith.index_cast %scan3A_259 : i32 to index
          %swap3A_336 = arith.constant 80 : index
          %swap3A_337 = tpu.vector_load %arg27[%swap3A_335, %swap3A_336] {strides = array<i32>} : memref<160x128xf32, #tpu.memory_space<vmem>>, vector<16xf32>,
          tpu.vector_store %arg27[%swap3A_335, %swap3A_336], %mul3A_334 {strides = array<i32>} : memref<160x128xf32, #tpu.memory_space<vmem>>, vector<16xf32>,
          %slice3A_338 = vector.extract_strided_slice %exp3A {offsets = [6], sizes = [1], strides = [1]} : vector<16xf32> to vector<1xf32>
          %squeeze3A_339 = vector.extract %slice3A_338[0] : f32 from vector<1xf32>
          %get3A_340 = arith.index_cast %scan3A_259 : i32 to index
          %get3A_341 = arith.constant 96 : index
          %get3A_342 = tpu.vector_load %arg27[%get3A_340, %get3A_341] {strides = array<i32>} : memref<160x128xf32, #tpu.memory_space<vmem>>, vector<16xf32>,
          %mul3A_343 = vector.broadcast %squeeze3A_339 : f32 to vector<16xf32>
          %mul3A_344 = arith.mulf %mul3A_343, %get3A_342 : vector<16xf32>
          %swap3A_345 = arith.index_cast %scan3A_259 : i32 to index
          %swap3A_346 = arith.constant 96 : index
          %swap3A_347 = tpu.vector_load %arg27[%swap3A_345, %swap3A_346] {strides = array<i32>} : memref<160x128xf32, #tpu.memory_space<vmem>>, vector<16xf32>,
          tpu.vector_store %arg27[%swap3A_345, %swap3A_346], %mul3A_344 {strides = array<i32>} : memref<160x128xf32, #tpu.memory_space<vmem>>, vector<16xf32>,
          %slice3A_348 = vector.extract_strided_slice %exp3A {offsets = [7], sizes = [1], strides = [1]} : vector<16xf32> to vector<1xf32>
          %squeeze3A_349 = vector.extract %slice3A_348[0] : f32 from vector<1xf32>
          %get3A_350 = arith.index_cast %scan3A_259 : i32 to index
          %get3A_351 = arith.constant 112 : index
          %get3A_352 = tpu.vector_load %arg27[%get3A_350, %get3A_351] {strides = array<i32>} : memref<160x128xf32, #tpu.memory_space<vmem>>, vector<16xf32>,
          %mul3A_353 = vector.broadcast %squeeze3A_349 : f32 to vector<16xf32>
          %mul3A_354 = arith.mulf %mul3A_353, %get3A_352 : vector<16xf32>
          %swap3A_355 = arith.index_cast %scan3A_259 : i32 to index
          %swap3A_356 = arith.constant 112 : index
          %swap3A_357 = tpu.vector_load %arg27[%swap3A_355, %swap3A_356] {strides = array<i32>} : memref<160x128xf32, #tpu.memory_space<vmem>>, vector<16xf32>,
          tpu.vector_store %arg27[%swap3A_355, %swap3A_356], %mul3A_354 {strides = array<i32>} : memref<160x128xf32, #tpu.memory_space<vmem>>, vector<16xf32>,
          %scan3A_358 = arith.constant 0 : i32
          scf.yield %scan3A_358 : i32
        }
        %scan3A_257 = arith.constant 160 : i32
        "tpu.region"() ({
          %run_scoped3A = tpu.sem_alloc : memref<!tpu.dma_semaphore, #tpu.memory_space<semaphore_mem>>
          %dma_start3A_259 = arith.constant 0 : i32
          %dma_start3A_260 = arith.constant 0 : i32
          %dma_start3A_261 = tpu.memref_slice %arg13[%dma_start3A_259, %dma_start3A_260] : memref<2064x128xf32, #tpu.memory_space<vmem_shared>> -> memref<2064x128xf32, #tpu.memory_space<vmem_shared>>
          tpu.enqueue_indirect_dma source(%arg27 : memref<160x128xf32, #tpu.memory_space<vmem>>) target(%dma_start3A_261 : memref<2064x128xf32, #tpu.memory_space<vmem_shared>>) offsets(%arg24 : memref<160xi32, #tpu.memory_space<vmem>>) semaphore(%run_scoped3A : memref<!tpu.dma_semaphore, #tpu.memory_space<semaphore_mem>>) {add = true}
          %dma_wait3A_262 = arith.constant 0 : i32
          %dma_wait3A_263 = arith.constant 0 : i32
          %dma_wait3A_264 = tpu.memref_slice %arg13[%dma_wait3A_262, %dma_wait3A_263] : memref<2064x128xf32, #tpu.memory_space<vmem_shared>> -> memref<2064x128xf32, #tpu.memory_space<vmem_shared>>
          tpu.wait_indirect_dma semaphore(%run_scoped3A : memref<!tpu.dma_semaphore, #tpu.memory_space<semaphore_mem>>) src(%arg27 : memref<160x128xf32, #tpu.memory_space<vmem>>) dst(%dma_wait3A_264 : memref<2064x128xf32, #tpu.memory_space<vmem_shared>>)
          tpu.yield
        }) : () -> ()
        "tpu.region"() ({
          %run_scoped3A = tpu.sem_alloc : memref<!tpu.dma_semaphore, #tpu.memory_space<semaphore_mem>>
          %dma_start3A_259 = arith.constant 0 : i32
          %dma_start3A_260 = arith.constant 0 : i32
          %dma_start3A_261 = tpu.memref_slice %arg14[%dma_start3A_259, %dma_start3A_260] : memref<2064x16xf32, #tpu.memory_space<vmem_shared>> -> memref<2064x16xf32, #tpu.memory_space<vmem_shared>>
          tpu.enqueue_indirect_dma source(%arg28 : memref<160x16xf32, #tpu.memory_space<vmem>>) target(%dma_start3A_261 : memref<2064x16xf32, #tpu.memory_space<vmem_shared>>) offsets(%arg24 : memref<160xi32, #tpu.memory_space<vmem>>) semaphore(%run_scoped3A : memref<!tpu.dma_semaphore, #tpu.memory_space<semaphore_mem>>) {add = true}
          %dma_wait3A_262 = arith.constant 0 : i32
          %dma_wait3A_263 = arith.constant 0 : i32
          %dma_wait3A_264 = tpu.memref_slice %arg14[%dma_wait3A_262, %dma_wait3A_263] : memref<2064x16xf32, #tpu.memory_space<vmem_shared>> -> memref<2064x16xf32, #tpu.memory_space<vmem_shared>>
          tpu.wait_indirect_dma semaphore(%run_scoped3A : memref<!tpu.dma_semaphore, #tpu.memory_space<semaphore_mem>>) src(%arg28 : memref<160x16xf32, #tpu.memory_space<vmem>>) dst(%dma_wait3A_264 : memref<2064x16xf32, #tpu.memory_space<vmem_shared>>)
          tpu.yield
        }) : () -> ()
        %while3A_258 = arith.constant 0 : i32
        scf.yield %while3A_258 : i32
      }
      %barrier3A_197 = arith.constant 0 : index
      tpu.barrier barrier_id(%barrier3A_197)
      %dma_start3A = arith.constant 0 : i32
      %dma_start3A_198 = arith.constant 0 : i32
      %dma_start3A_199 = tpu.memref_slice %arg13[%dma_start3A, %dma_start3A_198] : memref<2064x128xf32, #tpu.memory_space<vmem_shared>> -> memref<2064x128xf32, #tpu.memory_space<vmem_shared>>
      tpu.enqueue_indirect_dma source(%dma_start3A_199 : memref<2064x128xf32, #tpu.memory_space<vmem_shared>>) target(%arg33 : memref<128x128xf32, #tpu.memory_space<vmem>>) offsets(%arg32 : memref<128xi32, #tpu.memory_space<vmem>>) semaphore(%arg35 : memref<!tpu.dma_semaphore, #tpu.memory_space<semaphore_mem>>)
      %dma_start3A_200 = arith.constant 0 : i32
      %dma_start3A_201 = arith.constant 0 : i32
      %dma_start3A_202 = tpu.memref_slice %arg14[%dma_start3A_200, %dma_start3A_201] : memref<2064x16xf32, #tpu.memory_space<vmem_shared>> -> memref<2064x16xf32, #tpu.memory_space<vmem_shared>>
      tpu.enqueue_indirect_dma source(%dma_start3A_202 : memref<2064x16xf32, #tpu.memory_space<vmem_shared>>) target(%arg34 : memref<128x16xf32, #tpu.memory_space<vmem>>) offsets(%arg32 : memref<128xi32, #tpu.memory_space<vmem>>) semaphore(%arg35 : memref<!tpu.dma_semaphore, #tpu.memory_space<semaphore_mem>>)
      %dma_wait3A = arith.constant 0 : i32
      %dma_wait3A_203 = arith.constant 0 : i32
      %dma_wait3A_204 = tpu.memref_slice %arg13[%dma_wait3A, %dma_wait3A_203] : memref<2064x128xf32, #tpu.memory_space<vmem_shared>> -> memref<2064x128xf32, #tpu.memory_space<vmem_shared>>
      tpu.wait_indirect_dma semaphore(%arg35 : memref<!tpu.dma_semaphore, #tpu.memory_space<semaphore_mem>>) src(%dma_wait3A_204 : memref<2064x128xf32, #tpu.memory_space<vmem_shared>>) dst(%arg33 : memref<128x128xf32, #tpu.memory_space<vmem>>)
      %dma_wait3A_205 = arith.constant 0 : i32
      %dma_wait3A_206 = arith.constant 0 : i32
      %dma_wait3A_207 = tpu.memref_slice %arg14[%dma_wait3A_205, %dma_wait3A_206] : memref<2064x16xf32, #tpu.memory_space<vmem_shared>> -> memref<2064x16xf32, #tpu.memory_space<vmem_shared>>
      tpu.wait_indirect_dma semaphore(%arg35 : memref<!tpu.dma_semaphore, #tpu.memory_space<semaphore_mem>>) src(%dma_wait3A_207 : memref<2064x16xf32, #tpu.memory_space<vmem_shared>>) dst(%arg34 : memref<128x16xf32, #tpu.memory_space<vmem>>)
      %mul3A_208 = arith.constant 2048 : i32
      %mul3A_209 = arith.muli %scan3A_179, %mul3A_208 : i32
      %mul3A_210 = arith.constant 128 : i32
      %mul3A_211 = arith.muli %arg1, %mul3A_210 : i32
      %add3A_212 = arith.addi %mul3A_209, %mul3A_211 : i32
      %eq3A = arith.constant 0 : i32
      %eq3A_213 = arith.cmpi eq, %arg0, %eq3A : i32
      %convert_element_type3A = arith.extui %eq3A_213 : i1 to i32
      %cond3A = arith.constant 0 : i32
      %cond3A_214 = arith.cmpi ne, %convert_element_type3A, %cond3A : i32
      scf.if %cond3A_214 {
        "tpu.region"() ({
          %run_scoped3A = tpu.sem_alloc : memref<!tpu.dma_semaphore, #tpu.memory_space<semaphore_mem>>
          %dma_start3A_222 = arith.constant 0 : i32
          %dma_start3A_223 = tpu.memref_slice %arg9[%add3A_212, %dma_start3A_222] : memref<16384x128xf32, #tpu.memory_space<hbm>> -> memref<128x128xf32, #tpu.memory_space<hbm>>
          %dma_start3A_224 = arith.constant 0 : i32
          %dma_start3A_225 = tpu.memref_slice %arg9[%add3A_212, %dma_start3A_224] : memref<16384x128xf32, #tpu.memory_space<hbm>> -> memref<128x128xf32, #tpu.memory_space<hbm>>
          tpu.enqueue_dma source(%arg33 : memref<128x128xf32, #tpu.memory_space<vmem>>) target(%dma_start3A_225 : memref<128x128xf32, #tpu.memory_space<hbm>>) target_semaphore(%run_scoped3A : memref<!tpu.dma_semaphore, #tpu.memory_space<semaphore_mem>>)
          %dma_wait3A_226 = arith.constant 0 : i32
          %dma_wait3A_227 = tpu.memref_slice %arg9[%add3A_212, %dma_wait3A_226] : memref<16384x128xf32, #tpu.memory_space<hbm>> -> memref<128x128xf32, #tpu.memory_space<hbm>>
          %dma_wait3A_228 = arith.constant 0 : i32
          %dma_wait3A_229 = tpu.memref_slice %arg9[%add3A_212, %dma_wait3A_228] : memref<16384x128xf32, #tpu.memory_space<hbm>> -> memref<128x128xf32, #tpu.memory_space<hbm>>
          tpu.wait_dma2 semaphore(%run_scoped3A : memref<!tpu.dma_semaphore, #tpu.memory_space<semaphore_mem>>) src(%arg33 : memref<128x128xf32, #tpu.memory_space<vmem>>) dst(%dma_wait3A_229 : memref<128x128xf32, #tpu.memory_space<hbm>>)
          tpu.yield
        }) : () -> ()
        "tpu.region"() ({
          %run_scoped3A = tpu.sem_alloc : memref<!tpu.dma_semaphore, #tpu.memory_space<semaphore_mem>>
          %dma_start3A_222 = arith.constant 0 : i32
          %dma_start3A_223 = tpu.memref_slice %arg11[%add3A_212, %dma_start3A_222] : memref<16384x16xf32, #tpu.memory_space<hbm>> -> memref<128x16xf32, #tpu.memory_space<hbm>>
          %dma_start3A_224 = arith.constant 0 : i32
          %dma_start3A_225 = tpu.memref_slice %arg11[%add3A_212, %dma_start3A_224] : memref<16384x16xf32, #tpu.memory_space<hbm>> -> memref<128x16xf32, #tpu.memory_space<hbm>>
          tpu.enqueue_dma source(%arg34 : memref<128x16xf32, #tpu.memory_space<vmem>>) target(%dma_start3A_225 : memref<128x16xf32, #tpu.memory_space<hbm>>) target_semaphore(%run_scoped3A : memref<!tpu.dma_semaphore, #tpu.memory_space<semaphore_mem>>)
          %dma_wait3A_226 = arith.constant 0 : i32
          %dma_wait3A_227 = tpu.memref_slice %arg11[%add3A_212, %dma_wait3A_226] : memref<16384x16xf32, #tpu.memory_space<hbm>> -> memref<128x16xf32, #tpu.memory_space<hbm>>
          %dma_wait3A_228 = arith.constant 0 : i32
          %dma_wait3A_229 = tpu.memref_slice %arg11[%add3A_212, %dma_wait3A_228] : memref<16384x16xf32, #tpu.memory_space<hbm>> -> memref<128x16xf32, #tpu.memory_space<hbm>>
          tpu.wait_dma2 semaphore(%run_scoped3A : memref<!tpu.dma_semaphore, #tpu.memory_space<semaphore_mem>>) src(%arg34 : memref<128x16xf32, #tpu.memory_space<vmem>>) dst(%dma_wait3A_229 : memref<128x16xf32, #tpu.memory_space<hbm>>)
          tpu.yield
        }) : () -> ()
      } else {
      }
      %eq3A_215 = arith.constant 1 : i32
      %eq3A_216 = arith.cmpi eq, %arg0, %eq3A_215 : i32
      %convert_element_type3A_217 = arith.extui %eq3A_216 : i1 to i32
      %cond3A_218 = arith.constant 0 : i32
      %cond3A_219 = arith.cmpi ne, %convert_element_type3A_217, %cond3A_218 : i32
      scf.if %cond3A_219 {
        "tpu.region"() ({
          %run_scoped3A = tpu.sem_alloc : memref<!tpu.dma_semaphore, #tpu.memory_space<semaphore_mem>>
          %dma_start3A_222 = arith.constant 0 : i32
          %dma_start3A_223 = tpu.memref_slice %arg10[%add3A_212, %dma_start3A_222] : memref<16384x128xf32, #tpu.memory_space<hbm>> -> memref<128x128xf32, #tpu.memory_space<hbm>>
          %dma_start3A_224 = arith.constant 0 : i32
          %dma_start3A_225 = tpu.memref_slice %arg10[%add3A_212, %dma_start3A_224] : memref<16384x128xf32, #tpu.memory_space<hbm>> -> memref<128x128xf32, #tpu.memory_space<hbm>>
          tpu.enqueue_dma source(%arg33 : memref<128x128xf32, #tpu.memory_space<vmem>>) target(%dma_start3A_225 : memref<128x128xf32, #tpu.memory_space<hbm>>) target_semaphore(%run_scoped3A : memref<!tpu.dma_semaphore, #tpu.memory_space<semaphore_mem>>)
          %dma_wait3A_226 = arith.constant 0 : i32
          %dma_wait3A_227 = tpu.memref_slice %arg10[%add3A_212, %dma_wait3A_226] : memref<16384x128xf32, #tpu.memory_space<hbm>> -> memref<128x128xf32, #tpu.memory_space<hbm>>
          %dma_wait3A_228 = arith.constant 0 : i32
          %dma_wait3A_229 = tpu.memref_slice %arg10[%add3A_212, %dma_wait3A_228] : memref<16384x128xf32, #tpu.memory_space<hbm>> -> memref<128x128xf32, #tpu.memory_space<hbm>>
          tpu.wait_dma2 semaphore(%run_scoped3A : memref<!tpu.dma_semaphore, #tpu.memory_space<semaphore_mem>>) src(%arg33 : memref<128x128xf32, #tpu.memory_space<vmem>>) dst(%dma_wait3A_229 : memref<128x128xf32, #tpu.memory_space<hbm>>)
          tpu.yield
        }) : () -> ()
        "tpu.region"() ({
          %run_scoped3A = tpu.sem_alloc : memref<!tpu.dma_semaphore, #tpu.memory_space<semaphore_mem>>
          %dma_start3A_222 = arith.constant 0 : i32
          %dma_start3A_223 = tpu.memref_slice %arg12[%add3A_212, %dma_start3A_222] : memref<16384x16xf32, #tpu.memory_space<hbm>> -> memref<128x16xf32, #tpu.memory_space<hbm>>
          %dma_start3A_224 = arith.constant 0 : i32
          %dma_start3A_225 = tpu.memref_slice %arg12[%add3A_212, %dma_start3A_224] : memref<16384x16xf32, #tpu.memory_space<hbm>> -> memref<128x16xf32, #tpu.memory_space<hbm>>
          tpu.enqueue_dma source(%arg34 : memref<128x16xf32, #tpu.memory_space<vmem>>) target(%dma_start3A_225 : memref<128x16xf32, #tpu.memory_space<hbm>>) target_semaphore(%run_scoped3A : memref<!tpu.dma_semaphore, #tpu.memory_space<semaphore_mem>>)
          %dma_wait3A_226 = arith.constant 0 : i32
          %dma_wait3A_227 = tpu.memref_slice %arg12[%add3A_212, %dma_wait3A_226] : memref<16384x16xf32, #tpu.memory_space<hbm>> -> memref<128x16xf32, #tpu.memory_space<hbm>>
          %dma_wait3A_228 = arith.constant 0 : i32
          %dma_wait3A_229 = tpu.memref_slice %arg12[%add3A_212, %dma_wait3A_228] : memref<16384x16xf32, #tpu.memory_space<hbm>> -> memref<128x16xf32, #tpu.memory_space<hbm>>
          tpu.wait_dma2 semaphore(%run_scoped3A : memref<!tpu.dma_semaphore, #tpu.memory_space<semaphore_mem>>) src(%arg34 : memref<128x16xf32, #tpu.memory_space<vmem>>) dst(%dma_wait3A_229 : memref<128x16xf32, #tpu.memory_space<hbm>>)
          tpu.yield
        }) : () -> ()
      } else {
      }
      %barrier3A_220 = arith.constant 0 : index
      tpu.barrier barrier_id(%barrier3A_220)
      %scan3A_221 = arith.constant 0 : i32
      scf.yield %scan3A_221 : i32
    }
    %scan3A_178 = arith.constant 8 : i32
    return
  }
}

module attributes {stable_mosaic.version = 14 : i64} {
  func.func @_prep_body(%arg0: i32, %arg1: memref<2000x128xf32, #tpu.memory_space<vmem>>, %arg2: memref<128x128xf32, #tpu.memory_space<vmem>>, %arg3: memref<128x128xf32, #tpu.memory_space<vmem>>, %arg4: memref<2000x128xf32, #tpu.memory_space<vmem>>, %arg5: memref<2000x16xf32, #tpu.memory_space<vmem>>, %arg6: memref<2000x16xf32, #tpu.memory_space<vmem>>, %arg7: memref<1x128xf32, #tpu.memory_space<vmem>>) attributes {dimension_semantics = [#tpu.dimension_semantics<arbitrary>], iteration_bounds = array<i64: 40>, scalar_prefetch = 0 : i64, scratch_operands = 0 : i64, tpu.core_type = #tpu.core_type<tc>, window_params = [{transform_indices = @transform_0, window_bounds = array<i64: 2000, 128>}, {pipeline_mode = #tpu.pipeline_mode<synchronous>, transform_indices = @transform_1, window_bounds = array<i64: 128, 128>}, {pipeline_mode = #tpu.pipeline_mode<synchronous>, transform_indices = @transform_2, window_bounds = array<i64: 128, 128>}, {transform_indices = @transform_3, window_bounds = array<i64: 2000, 128>}, {transform_indices = @transform_4, window_bounds = array<i64: 2000, 16>}, {transform_indices = @transform_5, window_bounds = array<i64: 2000, 16>}, {pipeline_mode = #tpu.pipeline_mode<synchronous>, transform_indices = @transform_6, window_bounds = array<i64: 1, 128>}]} {
    %get3A = arith.constant 0 : index
    %get3A_0 = arith.constant 0 : index
    %get3A_1 = vector.load %arg1[%get3A, %get3A_0] : memref<2000x128xf32, #tpu.memory_space<vmem>>, vector<2000x128xf32>
    %get3A_2 = arith.constant 0 : index
    %get3A_3 = arith.constant 0 : index
    %get3A_4 = vector.load %arg2[%get3A_2, %get3A_3] : memref<128x128xf32, #tpu.memory_space<vmem>>, vector<128x128xf32>
    %dot_general3A = arith.constant dense<0.000000e+00> : vector<2000x128xf32>
    %dot_general3A_5 = tpu.matmul %get3A_1, %get3A_4, %dot_general3A {dimension_numbers = #tpu.dot_dimension_numbers<[1], [0], [0], [1], [0, 0, 1, 1], [], []>, transpose_lhs_hint = false} : vector<2000x128xf32>, vector<128x128xf32>, vector<2000x128xf32> -> vector<2000x128xf32>
    %get3A_6 = arith.constant 0 : index
    %get3A_7 = arith.constant 0 : index
    %get3A_8 = vector.load %arg3[%get3A_6, %get3A_7] : memref<128x128xf32, #tpu.memory_space<vmem>>, vector<128x128xf32>
    %dot_general3A_9 = arith.constant dense<0.000000e+00> : vector<2000x128xf32>
    %dot_general3A_10 = tpu.matmul %dot_general3A_5, %get3A_8, %dot_general3A_9 {dimension_numbers = #tpu.dot_dimension_numbers<[1], [0], [0], [1], [0, 0, 1, 1], [], []>, transpose_lhs_hint = false} : vector<2000x128xf32>, vector<128x128xf32>, vector<2000x128xf32> -> vector<2000x128xf32>
    %swap3A = arith.constant 0 : index
    %swap3A_11 = arith.constant 0 : index
    %swap3A_12 = vector.load %arg4[%swap3A, %swap3A_11] : memref<2000x128xf32, #tpu.memory_space<vmem>>, vector<2000x128xf32>
    tpu.vector_store %arg4[%swap3A, %swap3A_11], %dot_general3A_5 {strides = array<i32>} : memref<2000x128xf32, #tpu.memory_space<vmem>>, vector<2000x128xf32>,
    %slice3A = vector.extract_strided_slice %dot_general3A_10 {offsets = [0, 0], sizes = [2000, 16], strides = [1, 1]} : vector<2000x128xf32> to vector<2000x16xf32>
    %swap3A_13 = arith.constant 0 : index
    %swap3A_14 = arith.constant 0 : index
    %swap3A_15 = vector.load %arg5[%swap3A_13, %swap3A_14] : memref<2000x16xf32, #tpu.memory_space<vmem>>, vector<2000x16xf32>
    tpu.vector_store %arg5[%swap3A_13, %swap3A_14], %slice3A {strides = array<i32>} : memref<2000x16xf32, #tpu.memory_space<vmem>>, vector<2000x16xf32>,
    %slice3A_16 = vector.extract_strided_slice %dot_general3A_10 {offsets = [0, 16], sizes = [2000, 16], strides = [1, 1]} : vector<2000x128xf32> to vector<2000x16xf32>
    %swap3A_17 = arith.constant 0 : index
    %swap3A_18 = arith.constant 0 : index
    %swap3A_19 = vector.load %arg6[%swap3A_17, %swap3A_18] : memref<2000x16xf32, #tpu.memory_space<vmem>>, vector<2000x16xf32>
    tpu.vector_store %arg6[%swap3A_17, %swap3A_18], %slice3A_16 {strides = array<i32>} : memref<2000x16xf32, #tpu.memory_space<vmem>>, vector<2000x16xf32>,
    %iota3A = tpu.iota {dimensions = array<i32: 1>} : vector<1x128xi32>
    %reduce_max3A = arith.constant dense<0xFF800000> : vector<128xf32>
    %reduce_max3A_20 = vector.multi_reduction <maximumf>, %dot_general3A_10, %reduce_max3A [0] : vector<2000x128xf32> to vector<128xf32>
    %broadcast_in_dim3A = vector.shape_cast %reduce_max3A_20 : vector<128xf32> to vector<1x128xf32>
    %lt3A = arith.constant 16 : i32
    %lt3A_21 = vector.broadcast %lt3A : i32 to vector<1x128xi32>
    %lt3A_22 = arith.cmpi slt, %iota3A, %lt3A_21 : vector<1x128xi32>
    %jit3A = arith.constant 0.000000e+00 : f32
    %broadcast_in_dim3A_23 = vector.broadcast %jit3A : f32 to vector<1x128xf32>
    %select_n3A = arith.select %lt3A_22, %broadcast_in_dim3A, %broadcast_in_dim3A_23 : vector<1x128xi1>, vector<1x128xf32>
    %eq3A = arith.constant 0 : i32
    %eq3A_24 = arith.cmpi eq, %arg0, %eq3A : i32
    %convert_element_type3A = arith.extui %eq3A_24 : i1 to i32
    %cond3A = arith.constant 0 : i32
    %cond3A_25 = arith.cmpi ne, %convert_element_type3A, %cond3A : i32
    scf.if %cond3A_25 {
      %swap3A_30 = arith.constant 0 : index
      %swap3A_31 = arith.constant 0 : index
      %swap3A_32 = vector.load %arg7[%swap3A_30, %swap3A_31] : memref<1x128xf32, #tpu.memory_space<vmem>>, vector<1x128xf32>
      tpu.vector_store %arg7[%swap3A_30, %swap3A_31], %select_n3A {strides = array<i32>} : memref<1x128xf32, #tpu.memory_space<vmem>>, vector<1x128xf32>,
    } else {
    }
    %ne3A = arith.constant 0 : i32
    %ne3A_26 = arith.cmpi ne, %arg0, %ne3A : i32
    %convert_element_type3A_27 = arith.extui %ne3A_26 : i1 to i32
    %cond3A_28 = arith.constant 0 : i32
    %cond3A_29 = arith.cmpi ne, %convert_element_type3A_27, %cond3A_28 : i32
    scf.if %cond3A_29 {
      %get3A_30 = arith.constant 0 : index
      %get3A_31 = arith.constant 0 : index
      %get3A_32 = vector.load %arg7[%get3A_30, %get3A_31] : memref<1x128xf32, #tpu.memory_space<vmem>>, vector<1x128xf32>
      %max3A = arith.maximumf %get3A_32, %select_n3A : vector<1x128xf32>
      %swap3A_33 = arith.constant 0 : index
      %swap3A_34 = arith.constant 0 : index
      %swap3A_35 = vector.load %arg7[%swap3A_33, %swap3A_34] : memref<1x128xf32, #tpu.memory_space<vmem>>, vector<1x128xf32>
      tpu.vector_store %arg7[%swap3A_33, %swap3A_34], %max3A {strides = array<i32>} : memref<1x128xf32, #tpu.memory_space<vmem>>, vector<1x128xf32>,
    } else {
    }
    return
  }
  func.func @transform_0(%arg0: i32) -> (i32, i32) {
    %c0_i32 = arith.constant 0 : i32
    %c0_i32_0 = arith.constant 0 : i32
    return %arg0, %c0_i32 : i32, i32
  }
  func.func @transform_1(%arg0: i32) -> (i32, i32) {
    %c0_i32 = arith.constant 0 : i32
    %c0_i32_0 = arith.constant 0 : i32
    %c0_i32_1 = arith.constant 0 : i32
    return %c0_i32, %c0_i32_0 : i32, i32
  }
  func.func @transform_2(%arg0: i32) -> (i32, i32) {
    %c0_i32 = arith.constant 0 : i32
    %c0_i32_0 = arith.constant 0 : i32
    %c0_i32_1 = arith.constant 0 : i32
    return %c0_i32, %c0_i32_0 : i32, i32
  }
  func.func @transform_3(%arg0: i32) -> (i32, i32) {
    %c0_i32 = arith.constant 0 : i32
    %c0_i32_0 = arith.constant 0 : i32
    return %arg0, %c0_i32 : i32, i32
  }
  func.func @transform_4(%arg0: i32) -> (i32, i32) {
    %c0_i32 = arith.constant 0 : i32
    %c0_i32_0 = arith.constant 0 : i32
    return %arg0, %c0_i32 : i32, i32
  }
  func.func @transform_5(%arg0: i32) -> (i32, i32) {
    %c0_i32 = arith.constant 0 : i32
    %c0_i32_0 = arith.constant 0 : i32
    return %arg0, %c0_i32 : i32, i32
  }
  func.func @transform_6(%arg0: i32) -> (i32, i32) {
    %c0_i32 = arith.constant 0 : i32
    %c0_i32_0 = arith.constant 0 : i32
    %c0_i32_1 = arith.constant 0 : i32
    return %c0_i32, %c0_i32_0 : i32, i32
  }
}

module attributes {stable_mosaic.version = 14 : i64} {
  func.func @_temporal_body(%arg0: i32, %arg1: memref<8x256x128xf32, #tpu.memory_space<vmem>>, %arg2: memref<8x256x128xf32, #tpu.memory_space<vmem>>, %arg3: memref<8x256x16xf32, #tpu.memory_space<vmem>>, %arg4: memref<8x256x16xf32, #tpu.memory_space<vmem>>, %arg5: memref<8x128xf32, #tpu.memory_space<vmem>>, %arg6: memref<128x128xf32, #tpu.memory_space<vmem>>, %arg7: memref<128x128xf32, #tpu.memory_space<vmem>>, %arg8: memref<128x128xf32, #tpu.memory_space<vmem>>, %arg9: memref<16x128xf32, #tpu.memory_space<vmem>>, %arg10: memref<128x8xf32, #tpu.memory_space<vmem>>, %arg11: memref<256x128xf32, #tpu.memory_space<vmem>>) attributes {dimension_semantics = [#tpu.dimension_semantics<arbitrary>], iteration_bounds = array<i64: 8>, scalar_prefetch = 0 : i64, scratch_operands = 0 : i64, tpu.core_type = #tpu.core_type<tc>, window_params = [{transform_indices = @transform_0, window_bounds = array<i64: 8, 256, 128>}, {transform_indices = @transform_1, window_bounds = array<i64: 8, 256, 128>}, {transform_indices = @transform_2, window_bounds = array<i64: 8, 256, 16>}, {transform_indices = @transform_3, window_bounds = array<i64: 8, 256, 16>}, {pipeline_mode = #tpu.pipeline_mode<synchronous>, transform_indices = @transform_4, window_bounds = array<i64: 8, 128>}, {pipeline_mode = #tpu.pipeline_mode<synchronous>, transform_indices = @transform_5, window_bounds = array<i64: 128, 128>}, {pipeline_mode = #tpu.pipeline_mode<synchronous>, transform_indices = @transform_6, window_bounds = array<i64: 128, 128>}, {pipeline_mode = #tpu.pipeline_mode<synchronous>, transform_indices = @transform_7, window_bounds = array<i64: 128, 128>}, {pipeline_mode = #tpu.pipeline_mode<synchronous>, transform_indices = @transform_8, window_bounds = array<i64: 16, 128>}, {pipeline_mode = #tpu.pipeline_mode<synchronous>, transform_indices = @transform_9, window_bounds = array<i64: 128, 8>}, {transform_indices = @transform_10, window_bounds = array<i64: 256, 128>}]} {
    %get3A = arith.constant 0 : index
    %get3A_0 = arith.constant 0 : index
    %get3A_1 = arith.constant 0 : index
    %get3A_2 = vector.load %arg1[%get3A, %get3A_0, %get3A_1] : memref<8x256x128xf32, #tpu.memory_space<vmem>>, vector<8x256x128xf32>
    %get3A_3 = arith.constant 0 : index
    %get3A_4 = arith.constant 0 : index
    %get3A_5 = arith.constant 0 : index
    %get3A_6 = vector.load %arg2[%get3A_3, %get3A_4, %get3A_5] : memref<8x256x128xf32, #tpu.memory_space<vmem>>, vector<8x256x128xf32>
    %add3A = arith.addf %get3A_2, %get3A_6 : vector<8x256x128xf32>
    %reshape3A = vector.shape_cast %add3A : vector<8x256x128xf32> to vector<2048x128xf32>
    %get3A_7 = arith.constant 0 : index
    %get3A_8 = arith.constant 0 : index
    %get3A_9 = arith.constant 0 : index
    %get3A_10 = vector.load %arg3[%get3A_7, %get3A_8, %get3A_9] : memref<8x256x16xf32, #tpu.memory_space<vmem>>, vector<8x256x16xf32>
    %get3A_11 = arith.constant 0 : index
    %get3A_12 = arith.constant 0 : index
    %get3A_13 = arith.constant 0 : index
    %get3A_14 = vector.load %arg4[%get3A_11, %get3A_12, %get3A_13] : memref<8x256x16xf32, #tpu.memory_space<vmem>>, vector<8x256x16xf32>
    %add3A_15 = arith.addf %get3A_10, %get3A_14 : vector<8x256x16xf32>
    %reshape3A_16 = vector.shape_cast %add3A_15 : vector<8x256x16xf32> to vector<2048x16xf32>
    %get3A_17 = arith.constant 0 : index
    %get3A_18 = arith.constant 0 : index
    %get3A_19 = vector.load %arg9[%get3A_17, %get3A_18] : memref<16x128xf32, #tpu.memory_space<vmem>>, vector<16x128xf32>
    %dot_general3A = arith.constant dense<0.000000e+00> : vector<2048x128xf32>
    %dot_general3A_20 = tpu.matmul %reshape3A_16, %get3A_19, %dot_general3A {dimension_numbers = #tpu.dot_dimension_numbers<[1], [0], [0], [1], [0, 0, 1, 1], [], []>, transpose_lhs_hint = false} : vector<2048x16xf32>, vector<16x128xf32>, vector<2048x128xf32> -> vector<2048x128xf32>
    %add3A_21 = arith.constant 1.000000e-16 : f32
    %add3A_22 = vector.broadcast %add3A_21 : f32 to vector<2048x128xf32>
    %add3A_23 = arith.addf %dot_general3A_20, %add3A_22 : vector<2048x128xf32>
    %div3A = arith.divf %reshape3A, %add3A_23 : vector<2048x128xf32>
    %gt3A = arith.constant 0.000000e+00 : f32
    %gt3A_24 = vector.broadcast %gt3A : f32 to vector<2048x128xf32>
    %gt3A_25 = arith.cmpf ogt, %div3A, %gt3A_24 : vector<2048x128xf32>
    %exp3A = math.exp %div3A : vector<2048x128xf32>
    %sub3A = arith.constant 1.000000e+00 : f32
    %sub3A_26 = vector.broadcast %sub3A : f32 to vector<2048x128xf32>
    %sub3A_27 = arith.subf %exp3A, %sub3A_26 : vector<2048x128xf32>
    %select_n3A = arith.select %gt3A_25, %div3A, %sub3A_27 : vector<2048x128xi1>, vector<2048x128xf32>
    %reshape3A_28 = vector.shape_cast %select_n3A : vector<2048x128xf32> to vector<8x256x128xf32>
    %get3A_29 = arith.constant 0 : index
    %get3A_30 = arith.constant 0 : index
    %get3A_31 = vector.load %arg5[%get3A_29, %get3A_30] : memref<8x128xf32, #tpu.memory_space<vmem>>, vector<8x128xf32>
    %broadcast_in_dim3A = vector.shape_cast %get3A_31 : vector<8x128xf32> to vector<8x1x128xf32>
    %add3A_32 = vector.broadcast %broadcast_in_dim3A : vector<8x1x128xf32> to vector<8x256x128xf32>
    %add3A_33 = arith.addf %reshape3A_28, %add3A_32 : vector<8x256x128xf32>
    %reshape3A_34 = vector.shape_cast %add3A_33 : vector<8x256x128xf32> to vector<2048x128xf32>
    %get3A_35 = arith.constant 0 : index
    %get3A_36 = arith.constant 0 : index
    %get3A_37 = vector.load %arg7[%get3A_35, %get3A_36] : memref<128x128xf32, #tpu.memory_space<vmem>>, vector<128x128xf32>
    %dot_general3A_38 = arith.constant dense<0.000000e+00> : vector<2048x128xf32>
    %dot_general3A_39 = tpu.matmul %reshape3A_34, %get3A_37, %dot_general3A_38 {dimension_numbers = #tpu.dot_dimension_numbers<[1], [0], [0], [1], [0, 0, 1, 1], [], []>, transpose_lhs_hint = false} : vector<2048x128xf32>, vector<128x128xf32>, vector<2048x128xf32> -> vector<2048x128xf32>
    %reshape3A_40 = vector.shape_cast %dot_general3A_39 : vector<2048x128xf32> to vector<8x256x128xf32>
    %get3A_41 = arith.constant 0 : index
    %get3A_42 = arith.constant 0 : index
    %get3A_43 = vector.load %arg8[%get3A_41, %get3A_42] : memref<128x128xf32, #tpu.memory_space<vmem>>, vector<128x128xf32>
    %dot_general3A_44 = arith.constant dense<0.000000e+00> : vector<2048x128xf32>
    %dot_general3A_45 = tpu.matmul %reshape3A_34, %get3A_43, %dot_general3A_44 {dimension_numbers = #tpu.dot_dimension_numbers<[1], [0], [0], [1], [0, 0, 1, 1], [], []>, transpose_lhs_hint = false} : vector<2048x128xf32>, vector<128x128xf32>, vector<2048x128xf32> -> vector<2048x128xf32>
    %reshape3A_46 = vector.shape_cast %dot_general3A_45 : vector<2048x128xf32> to vector<8x256x128xf32>
    %slice3A = vector.extract_strided_slice %add3A_33 {offsets = [7, 0, 0], sizes = [1, 256, 128], strides = [1, 1, 1]} : vector<8x256x128xf32> to vector<1x256x128xf32>
    %squeeze3A = vector.shape_cast %slice3A : vector<1x256x128xf32> to vector<256x128xf32>
    %get3A_47 = arith.constant 0 : index
    %get3A_48 = arith.constant 0 : index
    %get3A_49 = vector.load %arg6[%get3A_47, %get3A_48] : memref<128x128xf32, #tpu.memory_space<vmem>>, vector<128x128xf32>
    %dot_general3A_50 = arith.constant dense<0.000000e+00> : vector<256x128xf32>
    %dot_general3A_51 = tpu.matmul %squeeze3A, %get3A_49, %dot_general3A_50 {dimension_numbers = #tpu.dot_dimension_numbers<[1], [0], [0], [1], [0, 0, 1, 1], [], []>, transpose_lhs_hint = false} : vector<256x128xf32>, vector<128x128xf32>, vector<256x128xf32> -> vector<256x128xf32>
    %slice3A_52 = vector.extract_strided_slice %reshape3A_40 {offsets = [0, 0, 0], sizes = [1, 256, 128], strides = [1, 1, 1]} : vector<8x256x128xf32> to vector<1x256x128xf32>
    %squeeze3A_53 = vector.shape_cast %slice3A_52 : vector<1x256x128xf32> to vector<256x128xf32>
    %mul3A = arith.mulf %dot_general3A_51, %squeeze3A_53 : vector<256x128xf32>
    %get3A_54 = arith.constant 0 : index
    %get3A_55 = arith.constant 0 : index
    %get3A_56 = vector.load %arg10[%get3A_54, %get3A_55] : memref<128x8xf32, #tpu.memory_space<vmem>>, vector<128x8xf32>
    %dot_general3A_57 = arith.constant dense<0.000000e+00> : vector<256x8xf32>
    %dot_general3A_58 = tpu.matmul %mul3A, %get3A_56, %dot_general3A_57 {dimension_numbers = #tpu.dot_dimension_numbers<[1], [0], [0], [1], [0, 0, 1, 1], [], []>, transpose_lhs_hint = false} : vector<256x128xf32>, vector<128x8xf32>, vector<256x8xf32> -> vector<256x8xf32>
    %mul3A_59 = arith.constant 2.500000e-01 : f32
    %mul3A_60 = vector.broadcast %mul3A_59 : f32 to vector<256x8xf32>
    %mul3A_61 = arith.mulf %dot_general3A_58, %mul3A_60 : vector<256x8xf32>
    %slice3A_62 = vector.extract_strided_slice %reshape3A_40 {offsets = [1, 0, 0], sizes = [1, 256, 128], strides = [1, 1, 1]} : vector<8x256x128xf32> to vector<1x256x128xf32>
    %squeeze3A_63 = vector.shape_cast %slice3A_62 : vector<1x256x128xf32> to vector<256x128xf32>
    %mul3A_64 = arith.mulf %dot_general3A_51, %squeeze3A_63 : vector<256x128xf32>
    %get3A_65 = arith.constant 0 : index
    %get3A_66 = arith.constant 0 : index
    %get3A_67 = vector.load %arg10[%get3A_65, %get3A_66] : memref<128x8xf32, #tpu.memory_space<vmem>>, vector<128x8xf32>
    %dot_general3A_68 = arith.constant dense<0.000000e+00> : vector<256x8xf32>
    %dot_general3A_69 = tpu.matmul %mul3A_64, %get3A_67, %dot_general3A_68 {dimension_numbers = #tpu.dot_dimension_numbers<[1], [0], [0], [1], [0, 0, 1, 1], [], []>, transpose_lhs_hint = false} : vector<256x128xf32>, vector<128x8xf32>, vector<256x8xf32> -> vector<256x8xf32>
    %mul3A_70 = arith.constant 2.500000e-01 : f32
    %mul3A_71 = vector.broadcast %mul3A_70 : f32 to vector<256x8xf32>
    %mul3A_72 = arith.mulf %dot_general3A_69, %mul3A_71 : vector<256x8xf32>
    %slice3A_73 = vector.extract_strided_slice %reshape3A_40 {offsets = [2, 0, 0], sizes = [1, 256, 128], strides = [1, 1, 1]} : vector<8x256x128xf32> to vector<1x256x128xf32>
    %squeeze3A_74 = vector.shape_cast %slice3A_73 : vector<1x256x128xf32> to vector<256x128xf32>
    %mul3A_75 = arith.mulf %dot_general3A_51, %squeeze3A_74 : vector<256x128xf32>
    %get3A_76 = arith.constant 0 : index
    %get3A_77 = arith.constant 0 : index
    %get3A_78 = vector.load %arg10[%get3A_76, %get3A_77] : memref<128x8xf32, #tpu.memory_space<vmem>>, vector<128x8xf32>
    %dot_general3A_79 = arith.constant dense<0.000000e+00> : vector<256x8xf32>
    %dot_general3A_80 = tpu.matmul %mul3A_75, %get3A_78, %dot_general3A_79 {dimension_numbers = #tpu.dot_dimension_numbers<[1], [0], [0], [1], [0, 0, 1, 1], [], []>, transpose_lhs_hint = false} : vector<256x128xf32>, vector<128x8xf32>, vector<256x8xf32> -> vector<256x8xf32>
    %mul3A_81 = arith.constant 2.500000e-01 : f32
    %mul3A_82 = vector.broadcast %mul3A_81 : f32 to vector<256x8xf32>
    %mul3A_83 = arith.mulf %dot_general3A_80, %mul3A_82 : vector<256x8xf32>
    %slice3A_84 = vector.extract_strided_slice %reshape3A_40 {offsets = [3, 0, 0], sizes = [1, 256, 128], strides = [1, 1, 1]} : vector<8x256x128xf32> to vector<1x256x128xf32>
    %squeeze3A_85 = vector.shape_cast %slice3A_84 : vector<1x256x128xf32> to vector<256x128xf32>
    %mul3A_86 = arith.mulf %dot_general3A_51, %squeeze3A_85 : vector<256x128xf32>
    %get3A_87 = arith.constant 0 : index
    %get3A_88 = arith.constant 0 : index
    %get3A_89 = vector.load %arg10[%get3A_87, %get3A_88] : memref<128x8xf32, #tpu.memory_space<vmem>>, vector<128x8xf32>
    %dot_general3A_90 = arith.constant dense<0.000000e+00> : vector<256x8xf32>
    %dot_general3A_91 = tpu.matmul %mul3A_86, %get3A_89, %dot_general3A_90 {dimension_numbers = #tpu.dot_dimension_numbers<[1], [0], [0], [1], [0, 0, 1, 1], [], []>, transpose_lhs_hint = false} : vector<256x128xf32>, vector<128x8xf32>, vector<256x8xf32> -> vector<256x8xf32>
    %mul3A_92 = arith.constant 2.500000e-01 : f32
    %mul3A_93 = vector.broadcast %mul3A_92 : f32 to vector<256x8xf32>
    %mul3A_94 = arith.mulf %dot_general3A_91, %mul3A_93 : vector<256x8xf32>
    %slice3A_95 = vector.extract_strided_slice %reshape3A_40 {offsets = [4, 0, 0], sizes = [1, 256, 128], strides = [1, 1, 1]} : vector<8x256x128xf32> to vector<1x256x128xf32>
    %squeeze3A_96 = vector.shape_cast %slice3A_95 : vector<1x256x128xf32> to vector<256x128xf32>
    %mul3A_97 = arith.mulf %dot_general3A_51, %squeeze3A_96 : vector<256x128xf32>
    %get3A_98 = arith.constant 0 : index
    %get3A_99 = arith.constant 0 : index
    %get3A_100 = vector.load %arg10[%get3A_98, %get3A_99] : memref<128x8xf32, #tpu.memory_space<vmem>>, vector<128x8xf32>
    %dot_general3A_101 = arith.constant dense<0.000000e+00> : vector<256x8xf32>
    %dot_general3A_102 = tpu.matmul %mul3A_97, %get3A_100, %dot_general3A_101 {dimension_numbers = #tpu.dot_dimension_numbers<[1], [0], [0], [1], [0, 0, 1, 1], [], []>, transpose_lhs_hint = false} : vector<256x128xf32>, vector<128x8xf32>, vector<256x8xf32> -> vector<256x8xf32>
    %mul3A_103 = arith.constant 2.500000e-01 : f32
    %mul3A_104 = vector.broadcast %mul3A_103 : f32 to vector<256x8xf32>
    %mul3A_105 = arith.mulf %dot_general3A_102, %mul3A_104 : vector<256x8xf32>
    %slice3A_106 = vector.extract_strided_slice %reshape3A_40 {offsets = [5, 0, 0], sizes = [1, 256, 128], strides = [1, 1, 1]} : vector<8x256x128xf32> to vector<1x256x128xf32>
    %squeeze3A_107 = vector.shape_cast %slice3A_106 : vector<1x256x128xf32> to vector<256x128xf32>
    %mul3A_108 = arith.mulf %dot_general3A_51, %squeeze3A_107 : vector<256x128xf32>
    %get3A_109 = arith.constant 0 : index
    %get3A_110 = arith.constant 0 : index
    %get3A_111 = vector.load %arg10[%get3A_109, %get3A_110] : memref<128x8xf32, #tpu.memory_space<vmem>>, vector<128x8xf32>
    %dot_general3A_112 = arith.constant dense<0.000000e+00> : vector<256x8xf32>
    %dot_general3A_113 = tpu.matmul %mul3A_108, %get3A_111, %dot_general3A_112 {dimension_numbers = #tpu.dot_dimension_numbers<[1], [0], [0], [1], [0, 0, 1, 1], [], []>, transpose_lhs_hint = false} : vector<256x128xf32>, vector<128x8xf32>, vector<256x8xf32> -> vector<256x8xf32>
    %mul3A_114 = arith.constant 2.500000e-01 : f32
    %mul3A_115 = vector.broadcast %mul3A_114 : f32 to vector<256x8xf32>
    %mul3A_116 = arith.mulf %dot_general3A_113, %mul3A_115 : vector<256x8xf32>
    %slice3A_117 = vector.extract_strided_slice %reshape3A_40 {offsets = [6, 0, 0], sizes = [1, 256, 128], strides = [1, 1, 1]} : vector<8x256x128xf32> to vector<1x256x128xf32>
    %squeeze3A_118 = vector.shape_cast %slice3A_117 : vector<1x256x128xf32> to vector<256x128xf32>
    %mul3A_119 = arith.mulf %dot_general3A_51, %squeeze3A_118 : vector<256x128xf32>
    %get3A_120 = arith.constant 0 : index
    %get3A_121 = arith.constant 0 : index
    %get3A_122 = vector.load %arg10[%get3A_120, %get3A_121] : memref<128x8xf32, #tpu.memory_space<vmem>>, vector<128x8xf32>
    %dot_general3A_123 = arith.constant dense<0.000000e+00> : vector<256x8xf32>
    %dot_general3A_124 = tpu.matmul %mul3A_119, %get3A_122, %dot_general3A_123 {dimension_numbers = #tpu.dot_dimension_numbers<[1], [0], [0], [1], [0, 0, 1, 1], [], []>, transpose_lhs_hint = false} : vector<256x128xf32>, vector<128x8xf32>, vector<256x8xf32> -> vector<256x8xf32>
    %mul3A_125 = arith.constant 2.500000e-01 : f32
    %mul3A_126 = vector.broadcast %mul3A_125 : f32 to vector<256x8xf32>
    %mul3A_127 = arith.mulf %dot_general3A_124, %mul3A_126 : vector<256x8xf32>
    %slice3A_128 = vector.extract_strided_slice %reshape3A_40 {offsets = [7, 0, 0], sizes = [1, 256, 128], strides = [1, 1, 1]} : vector<8x256x128xf32> to vector<1x256x128xf32>
    %squeeze3A_129 = vector.shape_cast %slice3A_128 : vector<1x256x128xf32> to vector<256x128xf32>
    %mul3A_130 = arith.mulf %dot_general3A_51, %squeeze3A_129 : vector<256x128xf32>
    %get3A_131 = arith.constant 0 : index
    %get3A_132 = arith.constant 0 : index
    %get3A_133 = vector.load %arg10[%get3A_131, %get3A_132] : memref<128x8xf32, #tpu.memory_space<vmem>>, vector<128x8xf32>
    %dot_general3A_134 = arith.constant dense<0.000000e+00> : vector<256x8xf32>
    %dot_general3A_135 = tpu.matmul %mul3A_130, %get3A_133, %dot_general3A_134 {dimension_numbers = #tpu.dot_dimension_numbers<[1], [0], [0], [1], [0, 0, 1, 1], [], []>, transpose_lhs_hint = false} : vector<256x128xf32>, vector<128x8xf32>, vector<256x8xf32> -> vector<256x8xf32>
    %mul3A_136 = arith.constant 2.500000e-01 : f32
    %mul3A_137 = vector.broadcast %mul3A_136 : f32 to vector<256x8xf32>
    %mul3A_138 = arith.mulf %dot_general3A_135, %mul3A_137 : vector<256x8xf32>
    %max3A = arith.maximumf %mul3A_61, %mul3A_72 : vector<256x8xf32>
    %max3A_139 = arith.maximumf %max3A, %mul3A_83 : vector<256x8xf32>
    %max3A_140 = arith.maximumf %max3A_139, %mul3A_94 : vector<256x8xf32>
    %max3A_141 = arith.maximumf %max3A_140, %mul3A_105 : vector<256x8xf32>
    %max3A_142 = arith.maximumf %max3A_141, %mul3A_116 : vector<256x8xf32>
    %max3A_143 = arith.maximumf %max3A_142, %mul3A_127 : vector<256x8xf32>
    %max3A_144 = arith.maximumf %max3A_143, %mul3A_138 : vector<256x8xf32>
    %sub3A_145 = arith.subf %mul3A_61, %max3A_144 : vector<256x8xf32>
    %exp3A_146 = math.exp %sub3A_145 : vector<256x8xf32>
    %sub3A_147 = arith.subf %mul3A_72, %max3A_144 : vector<256x8xf32>
    %exp3A_148 = math.exp %sub3A_147 : vector<256x8xf32>
    %sub3A_149 = arith.subf %mul3A_83, %max3A_144 : vector<256x8xf32>
    %exp3A_150 = math.exp %sub3A_149 : vector<256x8xf32>
    %sub3A_151 = arith.subf %mul3A_94, %max3A_144 : vector<256x8xf32>
    %exp3A_152 = math.exp %sub3A_151 : vector<256x8xf32>
    %sub3A_153 = arith.subf %mul3A_105, %max3A_144 : vector<256x8xf32>
    %exp3A_154 = math.exp %sub3A_153 : vector<256x8xf32>
    %sub3A_155 = arith.subf %mul3A_116, %max3A_144 : vector<256x8xf32>
    %exp3A_156 = math.exp %sub3A_155 : vector<256x8xf32>
    %sub3A_157 = arith.subf %mul3A_127, %max3A_144 : vector<256x8xf32>
    %exp3A_158 = math.exp %sub3A_157 : vector<256x8xf32>
    %sub3A_159 = arith.subf %mul3A_138, %max3A_144 : vector<256x8xf32>
    %exp3A_160 = math.exp %sub3A_159 : vector<256x8xf32>
    %add3A_161 = arith.addf %exp3A_146, %exp3A_148 : vector<256x8xf32>
    %add3A_162 = arith.addf %add3A_161, %exp3A_150 : vector<256x8xf32>
    %add3A_163 = arith.addf %add3A_162, %exp3A_152 : vector<256x8xf32>
    %add3A_164 = arith.addf %add3A_163, %exp3A_154 : vector<256x8xf32>
    %add3A_165 = arith.addf %add3A_164, %exp3A_156 : vector<256x8xf32>
    %add3A_166 = arith.addf %add3A_165, %exp3A_158 : vector<256x8xf32>
    %add3A_167 = arith.addf %add3A_166, %exp3A_160 : vector<256x8xf32>
    %get3A_168 = arith.constant 0 : index
    %get3A_169 = arith.constant 0 : index
    %get3A_170 = vector.load %arg9[%get3A_168, %get3A_169] : memref<16x128xf32, #tpu.memory_space<vmem>>, vector<16x128xf32>
    %slice3A_171 = vector.extract_strided_slice %get3A_170 {offsets = [0, 0], sizes = [8, 128], strides = [1, 1]} : vector<16x128xf32> to vector<8x128xf32>
    %broadcast_in_dim3A_172 = arith.constant 0.000000e+00 : f32
    %broadcast_in_dim3A_173 = vector.broadcast %broadcast_in_dim3A_172 : f32 to vector<256x128xf32>
    %div3A_174 = arith.divf %exp3A_146, %add3A_167 : vector<256x8xf32>
    %dot_general3A_175 = arith.constant dense<0.000000e+00> : vector<256x128xf32>
    %dot_general3A_176 = tpu.matmul %div3A_174, %slice3A_171, %dot_general3A_175 {dimension_numbers = #tpu.dot_dimension_numbers<[1], [0], [0], [1], [0, 0, 1, 1], [], []>, transpose_lhs_hint = false} : vector<256x8xf32>, vector<8x128xf32>, vector<256x128xf32> -> vector<256x128xf32>
    %slice3A_177 = vector.extract_strided_slice %reshape3A_46 {offsets = [0, 0, 0], sizes = [1, 256, 128], strides = [1, 1, 1]} : vector<8x256x128xf32> to vector<1x256x128xf32>
    %squeeze3A_178 = vector.shape_cast %slice3A_177 : vector<1x256x128xf32> to vector<256x128xf32>
    %mul3A_179 = arith.mulf %dot_general3A_176, %squeeze3A_178 : vector<256x128xf32>
    %add3A_180 = arith.addf %broadcast_in_dim3A_173, %mul3A_179 : vector<256x128xf32>
    %div3A_181 = arith.divf %exp3A_148, %add3A_167 : vector<256x8xf32>
    %dot_general3A_182 = arith.constant dense<0.000000e+00> : vector<256x128xf32>
    %dot_general3A_183 = tpu.matmul %div3A_181, %slice3A_171, %dot_general3A_182 {dimension_numbers = #tpu.dot_dimension_numbers<[1], [0], [0], [1], [0, 0, 1, 1], [], []>, transpose_lhs_hint = false} : vector<256x8xf32>, vector<8x128xf32>, vector<256x128xf32> -> vector<256x128xf32>
    %slice3A_184 = vector.extract_strided_slice %reshape3A_46 {offsets = [1, 0, 0], sizes = [1, 256, 128], strides = [1, 1, 1]} : vector<8x256x128xf32> to vector<1x256x128xf32>
    %squeeze3A_185 = vector.shape_cast %slice3A_184 : vector<1x256x128xf32> to vector<256x128xf32>
    %mul3A_186 = arith.mulf %dot_general3A_183, %squeeze3A_185 : vector<256x128xf32>
    %add3A_187 = arith.addf %add3A_180, %mul3A_186 : vector<256x128xf32>
    %div3A_188 = arith.divf %exp3A_150, %add3A_167 : vector<256x8xf32>
    %dot_general3A_189 = arith.constant dense<0.000000e+00> : vector<256x128xf32>
    %dot_general3A_190 = tpu.matmul %div3A_188, %slice3A_171, %dot_general3A_189 {dimension_numbers = #tpu.dot_dimension_numbers<[1], [0], [0], [1], [0, 0, 1, 1], [], []>, transpose_lhs_hint = false} : vector<256x8xf32>, vector<8x128xf32>, vector<256x128xf32> -> vector<256x128xf32>
    %slice3A_191 = vector.extract_strided_slice %reshape3A_46 {offsets = [2, 0, 0], sizes = [1, 256, 128], strides = [1, 1, 1]} : vector<8x256x128xf32> to vector<1x256x128xf32>
    %squeeze3A_192 = vector.shape_cast %slice3A_191 : vector<1x256x128xf32> to vector<256x128xf32>
    %mul3A_193 = arith.mulf %dot_general3A_190, %squeeze3A_192 : vector<256x128xf32>
    %add3A_194 = arith.addf %add3A_187, %mul3A_193 : vector<256x128xf32>
    %div3A_195 = arith.divf %exp3A_152, %add3A_167 : vector<256x8xf32>
    %dot_general3A_196 = arith.constant dense<0.000000e+00> : vector<256x128xf32>
    %dot_general3A_197 = tpu.matmul %div3A_195, %slice3A_171, %dot_general3A_196 {dimension_numbers = #tpu.dot_dimension_numbers<[1], [0], [0], [1], [0, 0, 1, 1], [], []>, transpose_lhs_hint = false} : vector<256x8xf32>, vector<8x128xf32>, vector<256x128xf32> -> vector<256x128xf32>
    %slice3A_198 = vector.extract_strided_slice %reshape3A_46 {offsets = [3, 0, 0], sizes = [1, 256, 128], strides = [1, 1, 1]} : vector<8x256x128xf32> to vector<1x256x128xf32>
    %squeeze3A_199 = vector.shape_cast %slice3A_198 : vector<1x256x128xf32> to vector<256x128xf32>
    %mul3A_200 = arith.mulf %dot_general3A_197, %squeeze3A_199 : vector<256x128xf32>
    %add3A_201 = arith.addf %add3A_194, %mul3A_200 : vector<256x128xf32>
    %div3A_202 = arith.divf %exp3A_154, %add3A_167 : vector<256x8xf32>
    %dot_general3A_203 = arith.constant dense<0.000000e+00> : vector<256x128xf32>
    %dot_general3A_204 = tpu.matmul %div3A_202, %slice3A_171, %dot_general3A_203 {dimension_numbers = #tpu.dot_dimension_numbers<[1], [0], [0], [1], [0, 0, 1, 1], [], []>, transpose_lhs_hint = false} : vector<256x8xf32>, vector<8x128xf32>, vector<256x128xf32> -> vector<256x128xf32>
    %slice3A_205 = vector.extract_strided_slice %reshape3A_46 {offsets = [4, 0, 0], sizes = [1, 256, 128], strides = [1, 1, 1]} : vector<8x256x128xf32> to vector<1x256x128xf32>
    %squeeze3A_206 = vector.shape_cast %slice3A_205 : vector<1x256x128xf32> to vector<256x128xf32>
    %mul3A_207 = arith.mulf %dot_general3A_204, %squeeze3A_206 : vector<256x128xf32>
    %add3A_208 = arith.addf %add3A_201, %mul3A_207 : vector<256x128xf32>
    %div3A_209 = arith.divf %exp3A_156, %add3A_167 : vector<256x8xf32>
    %dot_general3A_210 = arith.constant dense<0.000000e+00> : vector<256x128xf32>
    %dot_general3A_211 = tpu.matmul %div3A_209, %slice3A_171, %dot_general3A_210 {dimension_numbers = #tpu.dot_dimension_numbers<[1], [0], [0], [1], [0, 0, 1, 1], [], []>, transpose_lhs_hint = false} : vector<256x8xf32>, vector<8x128xf32>, vector<256x128xf32> -> vector<256x128xf32>
    %slice3A_212 = vector.extract_strided_slice %reshape3A_46 {offsets = [5, 0, 0], sizes = [1, 256, 128], strides = [1, 1, 1]} : vector<8x256x128xf32> to vector<1x256x128xf32>
    %squeeze3A_213 = vector.shape_cast %slice3A_212 : vector<1x256x128xf32> to vector<256x128xf32>
    %mul3A_214 = arith.mulf %dot_general3A_211, %squeeze3A_213 : vector<256x128xf32>
    %add3A_215 = arith.addf %add3A_208, %mul3A_214 : vector<256x128xf32>
    %div3A_216 = arith.divf %exp3A_158, %add3A_167 : vector<256x8xf32>
    %dot_general3A_217 = arith.constant dense<0.000000e+00> : vector<256x128xf32>
    %dot_general3A_218 = tpu.matmul %div3A_216, %slice3A_171, %dot_general3A_217 {dimension_numbers = #tpu.dot_dimension_numbers<[1], [0], [0], [1], [0, 0, 1, 1], [], []>, transpose_lhs_hint = false} : vector<256x8xf32>, vector<8x128xf32>, vector<256x128xf32> -> vector<256x128xf32>
    %slice3A_219 = vector.extract_strided_slice %reshape3A_46 {offsets = [6, 0, 0], sizes = [1, 256, 128], strides = [1, 1, 1]} : vector<8x256x128xf32> to vector<1x256x128xf32>
    %squeeze3A_220 = vector.shape_cast %slice3A_219 : vector<1x256x128xf32> to vector<256x128xf32>
    %mul3A_221 = arith.mulf %dot_general3A_218, %squeeze3A_220 : vector<256x128xf32>
    %add3A_222 = arith.addf %add3A_215, %mul3A_221 : vector<256x128xf32>
    %div3A_223 = arith.divf %exp3A_160, %add3A_167 : vector<256x8xf32>
    %dot_general3A_224 = arith.constant dense<0.000000e+00> : vector<256x128xf32>
    %dot_general3A_225 = tpu.matmul %div3A_223, %slice3A_171, %dot_general3A_224 {dimension_numbers = #tpu.dot_dimension_numbers<[1], [0], [0], [1], [0, 0, 1, 1], [], []>, transpose_lhs_hint = false} : vector<256x8xf32>, vector<8x128xf32>, vector<256x128xf32> -> vector<256x128xf32>
    %slice3A_226 = vector.extract_strided_slice %reshape3A_46 {offsets = [7, 0, 0], sizes = [1, 256, 128], strides = [1, 1, 1]} : vector<8x256x128xf32> to vector<1x256x128xf32>
    %squeeze3A_227 = vector.shape_cast %slice3A_226 : vector<1x256x128xf32> to vector<256x128xf32>
    %mul3A_228 = arith.mulf %dot_general3A_225, %squeeze3A_227 : vector<256x128xf32>
    %add3A_229 = arith.addf %add3A_222, %mul3A_228 : vector<256x128xf32>
    %slice3A_230 = vector.extract_strided_slice %add3A_33 {offsets = [7, 0, 0], sizes = [1, 256, 128], strides = [1, 1, 1]} : vector<8x256x128xf32> to vector<1x256x128xf32>
    %squeeze3A_231 = vector.shape_cast %slice3A_230 : vector<1x256x128xf32> to vector<256x128xf32>
    %add3A_232 = arith.addf %add3A_229, %squeeze3A_231 : vector<256x128xf32>
    %swap3A = arith.constant 0 : index
    %swap3A_233 = arith.constant 0 : index
    %swap3A_234 = vector.load %arg11[%swap3A, %swap3A_233] : memref<256x128xf32, #tpu.memory_space<vmem>>, vector<256x128xf32>
    tpu.vector_store %arg11[%swap3A, %swap3A_233], %add3A_232 {strides = array<i32>} : memref<256x128xf32, #tpu.memory_space<vmem>>, vector<256x128xf32>,
    return
  }
  func.func @transform_0(%arg0: i32) -> (i32, i32, i32) {
    %c0_i32 = arith.constant 0 : i32
    %c0_i32_0 = arith.constant 0 : i32
    %c0_i32_1 = arith.constant 0 : i32
    return %c0_i32, %arg0, %c0_i32_0 : i32, i32, i32
  }
  func.func @transform_1(%arg0: i32) -> (i32, i32, i32) {
    %c0_i32 = arith.constant 0 : i32
    %c0_i32_0 = arith.constant 0 : i32
    %c0_i32_1 = arith.constant 0 : i32
    return %c0_i32, %arg0, %c0_i32_0 : i32, i32, i32
  }
  func.func @transform_2(%arg0: i32) -> (i32, i32, i32) {
    %c0_i32 = arith.constant 0 : i32
    %c0_i32_0 = arith.constant 0 : i32
    %c0_i32_1 = arith.constant 0 : i32
    return %c0_i32, %arg0, %c0_i32_0 : i32, i32, i32
  }
  func.func @transform_3(%arg0: i32) -> (i32, i32, i32) {
    %c0_i32 = arith.constant 0 : i32
    %c0_i32_0 = arith.constant 0 : i32
    %c0_i32_1 = arith.constant 0 : i32
    return %c0_i32, %arg0, %c0_i32_0 : i32, i32, i32
  }
  func.func @transform_4(%arg0: i32) -> (i32, i32) {
    %c0_i32 = arith.constant 0 : i32
    %c0_i32_0 = arith.constant 0 : i32
    %c0_i32_1 = arith.constant 0 : i32
    return %c0_i32, %c0_i32_0 : i32, i32
  }
  func.func @transform_5(%arg0: i32) -> (i32, i32) {
    %c0_i32 = arith.constant 0 : i32
    %c0_i32_0 = arith.constant 0 : i32
    %c0_i32_1 = arith.constant 0 : i32
    return %c0_i32, %c0_i32_0 : i32, i32
  }
  func.func @transform_6(%arg0: i32) -> (i32, i32) {
    %c0_i32 = arith.constant 0 : i32
    %c0_i32_0 = arith.constant 0 : i32
    %c0_i32_1 = arith.constant 0 : i32
    return %c0_i32, %c0_i32_0 : i32, i32
  }
  func.func @transform_7(%arg0: i32) -> (i32, i32) {
    %c0_i32 = arith.constant 0 : i32
    %c0_i32_0 = arith.constant 0 : i32
    %c0_i32_1 = arith.constant 0 : i32
    return %c0_i32, %c0_i32_0 : i32, i32
  }
  func.func @transform_8(%arg0: i32) -> (i32, i32) {
    %c0_i32 = arith.constant 0 : i32
    %c0_i32_0 = arith.constant 0 : i32
    %c0_i32_1 = arith.constant 0 : i32
    return %c0_i32, %c0_i32_0 : i32, i32
  }
  func.func @transform_9(%arg0: i32) -> (i32, i32) {
    %c0_i32 = arith.constant 0 : i32
    %c0_i32_0 = arith.constant 0 : i32
    %c0_i32_1 = arith.constant 0 : i32
    return %c0_i32, %c0_i32_0 : i32, i32
  }
  func.func @transform_10(%arg0: i32) -> (i32, i32) {
    %c0_i32 = arith.constant 0 : i32
    %c0_i32_0 = arith.constant 0 : i32
    return %arg0, %c0_i32 : i32, i32
  }
}

module attributes {stable_mosaic.version = 14 : i64} {
  func.func @_cls_body(%arg0: memref<2048x128xf32, #tpu.memory_space<vmem>>, %arg1: memref<128x128xf32, #tpu.memory_space<vmem>>, %arg2: memref<1x128xf32, #tpu.memory_space<vmem>>, %arg3: memref<128x2xf32, #tpu.memory_space<vmem>>, %arg4: memref<1x2xf32, #tpu.memory_space<vmem>>, %arg5: memref<1024x2xf32, #tpu.memory_space<vmem>>) attributes {dimension_semantics = [], scalar_prefetch = 0 : i64, scratch_operands = 0 : i64, tpu.core_type = #tpu.core_type<tc>} {
    %get3A = arith.constant 0 : index
    %get3A_0 = arith.constant 0 : index
    %get3A_1 = vector.load %arg0[%get3A, %get3A_0] : memref<2048x128xf32, #tpu.memory_space<vmem>>, vector<2048x128xf32>
    %slice3A = vector.extract_strided_slice %get3A_1 {offsets = [0, 0], sizes = [1024, 128], strides = [1, 1]} : vector<2048x128xf32> to vector<1024x128xf32>
    %slice3A_2 = vector.extract_strided_slice %get3A_1 {offsets = [1024, 0], sizes = [1024, 128], strides = [1, 1]} : vector<2048x128xf32> to vector<1024x128xf32>
    %mul3A = arith.mulf %slice3A, %slice3A_2 : vector<1024x128xf32>
    %get3A_3 = arith.constant 0 : index
    %get3A_4 = arith.constant 0 : index
    %get3A_5 = vector.load %arg1[%get3A_3, %get3A_4] : memref<128x128xf32, #tpu.memory_space<vmem>>, vector<128x128xf32>
    %dot_general3A = arith.constant dense<0.000000e+00> : vector<1024x128xf32>
    %dot_general3A_6 = tpu.matmul %mul3A, %get3A_5, %dot_general3A {dimension_numbers = #tpu.dot_dimension_numbers<[1], [0], [0], [1], [0, 0, 1, 1], [], []>, transpose_lhs_hint = false} : vector<1024x128xf32>, vector<128x128xf32>, vector<1024x128xf32> -> vector<1024x128xf32>
    %get3A_7 = arith.constant 0 : index
    %get3A_8 = arith.constant 0 : index
    %get3A_9 = vector.load %arg2[%get3A_7, %get3A_8] : memref<1x128xf32, #tpu.memory_space<vmem>>, vector<1x128xf32>
    %add3A = vector.broadcast %get3A_9 : vector<1x128xf32> to vector<1024x128xf32>
    %add3A_10 = arith.addf %dot_general3A_6, %add3A : vector<1024x128xf32>
    %max3A = arith.constant 0.000000e+00 : f32
    %max3A_11 = vector.broadcast %max3A : f32 to vector<1024x128xf32>
    %max3A_12 = arith.maximumf %add3A_10, %max3A_11 : vector<1024x128xf32>
    %get3A_13 = arith.constant 0 : index
    %get3A_14 = arith.constant 0 : index
    %get3A_15 = vector.load %arg3[%get3A_13, %get3A_14] : memref<128x2xf32, #tpu.memory_space<vmem>>, vector<128x2xf32>
    %dot_general3A_16 = arith.constant dense<0.000000e+00> : vector<1024x2xf32>
    %dot_general3A_17 = tpu.matmul %max3A_12, %get3A_15, %dot_general3A_16 {dimension_numbers = #tpu.dot_dimension_numbers<[1], [0], [0], [1], [0, 0, 1, 1], [], []>, transpose_lhs_hint = false} : vector<1024x128xf32>, vector<128x2xf32>, vector<1024x2xf32> -> vector<1024x2xf32>
    %get3A_18 = arith.constant 0 : index
    %get3A_19 = arith.constant 0 : index
    %get3A_20 = vector.load %arg4[%get3A_18, %get3A_19] : memref<1x2xf32, #tpu.memory_space<vmem>>, vector<1x2xf32>
    %add3A_21 = vector.broadcast %get3A_20 : vector<1x2xf32> to vector<1024x2xf32>
    %add3A_22 = arith.addf %dot_general3A_17, %add3A_21 : vector<1024x2xf32>
    %swap3A = arith.constant 0 : index
    %swap3A_23 = arith.constant 0 : index
    %swap3A_24 = vector.load %arg5[%swap3A, %swap3A_23] : memref<1024x2xf32, #tpu.memory_space<vmem>>, vector<1024x2xf32>
    tpu.vector_store %arg5[%swap3A, %swap3A_23], %add3A_22 {strides = array<i32>} : memref<1024x2xf32, #tpu.memory_space<vmem>>, vector<1024x2xf32>,
    return
  }
}

</mosaic_0001>

<sc_bundles>
// kernel: kernel.6.cloned.1.call-start
scs
__scs_entry_jumppad:
0x0: {  	(pc) =	sbr.rel $0x88, $3  }
0x1: {  	(tag) =	ssettag $0x0;
	lr =	simm.s32 $0x1  }
0x2: {  	[smem:$0x3F93] =	sst lr;
	_ =	strace $0xD0000000  }
0x3: {  	_ = 	snop  }
0x4: {  	_ = 	snop  }
0x5: {  	_ = 	snop  }
0x6: {  	_ = 	snop  }
0x7: {  	_ = 	snop  }
__scs_overlays_trampoline_lowered:
0x8: {  	[smem:$0x3FA2] =	sst s0  }
0x9: {  	[smem:$0x3FA3] =	sst s1  }
0xa: {  	[smem:$0x3FA4] =	sst s2  }
0xb: {  	[smem:$0x3FA5] =	sst s3  }
0xc: {  	[smem:$0x3FA6] =	sst s4  }
0xd: {  	[smem:$0x3FA7] =	sst s5  }
0xe: {  	[smem:$0x3FA8] =	sst s6  }
0xf: {  	[smem:$0x3FA9] =	sst s7  }
0x10: {  	[smem:$0x3FAA] =	sst s8  }
0x11: {  	[smem:$0x3FAB] =	sst s9;
	s0 =	simm.s32 @!p0 $0x0  }
0x12: {  	s1 =	sld [smem:$0x3F91];
	s0 =	simm.s32 @p0 $0x1  }
0x13: {  	[smem:$0x3FAC] =	sst s0;
	s0 =	simm.s32 @!p1 $0x0  }
0x14: {  	s2 =	sld [smem:$0x3F90];
	s0 =	simm.s32 @p1 $0x1  }
0x15: {  	[smem:$0x3FAD] =	sst s0;
	s0 =	simm.s32 @!p2 $0x0  }
0x16: {  	s3 =	sld [smem:$0x3FDB];
	s0 =	simm.s32 @p2 $0x1  }
0x17: {  	s4 =	simm.s32 $0x1BF5;
	[smem:$0x3FAF] =	sst s0  }
0x18: {  	s0 =	sld [smem:$0x3F92];
	_ =	swait.ge [sflag:s4], $0x0  }
0x19: {  	s7 =	sld [smem:$0x3F93]  }
0x1a: {  	s8 =	sadd.s32 $0xFFFFE003, lr  }
0x1b: {  	s9 =	sadd.s32 $0xFFFFFEF7, lr;
	s5 =	simm.s32 $0xFFFFFFFF;
	p2 =	slt.u32 s8, $0xFFFFF086  }
0x1c: {  	p1 =	slt.u32 s9, $0xF7A;
	s5 =	simm.s32 @!p2 $0x0  }
0x1d: {  	s5 =	simm.s32 @p1 $0x1;
	p0 =	seq.s32 s7, s2  }
0x1e: {  	s7 =	smul.u32 @!p0 $0xF7A, s2;
	p2 =	seq.s32 @!p0 s5, $0x0  }
0x1f: {  	s9 =	smul.u32 $0xF7A, s1;
	s8 =	simm.s32 @!p0 $0x1BF5;
	p2 =	por !p2, p0  }
0x20: {  	[sflag:s8] =	ssyncset.s32 @!p0 $0xFFFFF086;
	s6 =	sadd.s32 @!p0 s3, s7;
	s7 =	simm.s32 @!p0 $0x108  }
0x21: {  	s3 =	sadd.s32 s3, s9;
	s6 =	sadd.s32 @!p0 $0x88, s6;
	s7 =	simm.s32 @p2 $0x1082  }
0x22: {  	[simem:s7], [sflag:s8] =	dma.local @!p0 [hbm:s6], $0xF7A  }
0x23: {  	s9 =	sor.u32 $0xD0000000, s2;
	s6 =	simm.s32 $0x108;
	_ =	swait.ge @!p0 [sflag:s8], $0x0  }
0x24: {  	s3 =	sadd.s32 $0x88, s3;
	s6 =	simm.s32 @!p1 $0x1082;
	[sflag:s4] =	ssyncset.s32 $0xFFFFF086  }
0x25: {  	[simem:s6], [sflag:s4] =	dma.local [hbm:s3], $0xF7A  }
0x26: {  	[smem:$0x3F93] =	sst s1;
	(tag) =	ssettag s2;
	_ =	strace s9  }
0x27: {  	s1 =	sld [smem:$0x3FA3]  }
0x28: {  	s2 =	sld [smem:$0x3FA4]  }
0x29: {  	s4 =	sld [smem:$0x3FA6]  }
0x2a: {  	p0 =	seq.s32 s5, $0x0;
	s5 =	sld [smem:$0x3FA7]  }
0x2b: {  	s6 =	sld [smem:$0x3FA8]  }
0x2c: {  	s7 =	sld [smem:$0x3FA9]  }
0x2d: {  	s3 =	simm.s32 $0x108;
	s8 =	sld [smem:$0x3FAA]  }
0x2e: {  	s3 =	simm.s32 @!p0 $0x1082;
	s9 =	sld [smem:$0x3FAB]  }
0x2f: {  	lr =	sadd.s32 s0, s3;
	s0 =	sld [smem:$0x3FA2]  }
0x30: {  	s3 =	sld [smem:$0x3FA5]  }
0x31: {  	[smem:$0x3FAE] =	sst s10  }
0x32: {  	s10 =	sld [smem:$0x3FAC];
	_ =	sdelay $0x3  }
0x33: {  	p0 =	seq.s32 s10, $0x1;
	s10 =	sld [smem:$0x3FAE];
	_ =	sdelay $0x3  }
0x34: {  	[smem:$0x3FAE] =	sst s10  }
0x35: {  	s10 =	sld [smem:$0x3FAD];
	_ =	sdelay $0x3  }
0x36: {  	p1 =	seq.s32 s10, $0x1;
	s10 =	sld [smem:$0x3FAE];
	_ =	sdelay $0x3  }
0x37: {  	[smem:$0x3FAE] =	sst s10  }
0x38: {  	s10 =	sld [smem:$0x3FAF]  }
0x39: {  	_ = 	snop;
	(pc) =	sbr.ind lr, $3  }
0x3a: {  	_ = 	snop  }
0x3b: {  	_ = 	snop  }
0x3c: {  	p2 =	seq.s32 s10, $0x1;
	s10 =	sld [smem:$0x3FAE]  }
0x3d: {  	_ =	shalt  }
0x3e: {  	_ =	shalt  }
0x3f: {  	_ =	shalt  }
0x40: {  	_ =	shalt  }
0x41: {  	_ =	shalt  }
0x42: {  	_ =	shalt  }
0x43: {  	_ =	shalt  }
0x44: {  	_ =	shalt  }
0x45: {  	_ =	shalt  }
0x46: {  	_ =	shalt  }
0x47: {  	_ =	shalt  }
0x48: {  	_ =	shalt  }
0x49: {  	_ =	shalt  }
0x4a: {  	_ =	shalt  }
0x4b: {  	_ =	shalt  }
0x4c: {  	_ =	shalt  }
0x4d: {  	_ =	shalt  }
0x4e: {  	_ =	shalt  }
0x4f: {  	_ =	shalt  }
0x50: {  	_ =	shalt  }
0x51: {  	_ =	shalt  }
0x52: {  	_ =	shalt  }
0x53: {  	_ =	shalt  }
0x54: {  	_ =	shalt  }
0x55: {  	_ =	shalt  }
0x56: {  	_ =	shalt  }
0x57: {  	_ =	shalt  }
0x58: {  	_ =	shalt  }
0x59: {  	_ =	shalt  }
0x5a: {  	_ =	shalt  }
0x5b: {  	_ =	shalt  }
0x5c: {  	_ =	shalt  }
0x5d: {  	_ =	shalt  }
0x5e: {  	_ =	shalt  }
0x5f: {  	_ =	shalt  }
0x60: {  	_ =	shalt  }
0x61: {  	_ =	shalt  }
0x62: {  	_ =	shalt  }
0x63: {  	_ =	shalt  }
0x64: {  	_ =	shalt  }
0x65: {  	_ =	shalt  }
0x66: {  	_ =	shalt  }
0x67: {  	_ =	shalt  }
0x68: {  	_ =	shalt  }
0x69: {  	_ =	shalt  }
0x6a: {  	_ =	shalt  }
0x6b: {  	_ =	shalt  }
0x6c: {  	_ =	shalt  }
0x6d: {  	_ =	shalt  }
0x6e: {  	_ =	shalt  }
0x6f: {  	_ =	shalt  }
0x70: {  	_ =	shalt  }
0x71: {  	_ =	shalt  }
0x72: {  	_ =	shalt  }
0x73: {  	_ =	shalt  }
0x74: {  	_ =	shalt  }
0x75: {  	_ =	shalt  }
0x76: {  	_ =	shalt  }
0x77: {  	_ =	shalt  }
0x78: {  	_ =	shalt  }
0x79: {  	_ =	shalt  }
0x7a: {  	_ =	shalt  }
0x7b: {  	_ =	shalt  }
0x7c: {  	_ =	shalt  }
0x7d: {  	_ =	shalt  }
0x7e: {  	_ =	shalt  }
0x7f: {  	_ =	shalt  }
0x80: {  	_ =	shalt  }
0x81: {  	_ =	shalt  }
0x82: {  	_ =	shalt  }
0x83: {  	_ =	shalt  }
0x84: {  	_ =	shalt  }
0x85: {  	_ =	shalt  }
0x86: {  	_ =	shalt  }
0x87: {  	_ =	shalt  }
.Lfunc_end0:
.L_simem_size_0:
called_computation_lowered:
.L_overlay_start_0:
0x88: {  	s2 =	sld [smem:$0x3FD9]  }
0x89: {  	s3 =	sld [smem:$0x3FFE];
	_ =	sdelay $0x1  }
0x8a: {  	s1 =	srdreg.scid  }
0x8b: {  	s0 =	sand.u32 $0x1, s1  }
0x8c: {  	s17 =	sshll.u32 s0, $0xA;
	s2 =	sadd.s32 s3, s2  }
0x8d: {  	s2 =	sadd.s32 s2, s17  }
0x8e: {  	[smem:$0x3FBA] =	sst s2  }
0x8f: {  	_ = 	snop  }
0x90: {  	s2 =	sld [smem:$0x3FD0];
	(tm) =	ssettm $0x1  }
0x91: {  	s18 =	sld [smem:$0x3FFB];
	_ =	sdelay $0x3  }
0x92: {  	_ =	strace s18  }
0x93: {  	s3 =	sld [smem:$0x3FFC];
	_ =	sdelay $0x3  }
0x94: {  	_ =	strace s3  }
0x95: {  	s3 =	sld [smem:$0x3FFD];
	_ =	sdelay $0x3  }
0x96: {  	_ =	strace s3  }
0x97: {  	_ =	strace $0x8FFFFFFF  }
0x98: {  	s19 =	sld [smem:$0x3FDB];
	_ =	sdelay $0x1  }
0x99: {  	s4 =	simm.s32 $_scs_section_size  }
0x9a: {  	s5 =	simm.s32 $_size__tile_overlayer_lowered;
	s6 =	simm.s32 $_tile_overlayer_lowered  }
0x9b: {  	s22 =	simm.s32 $0x1BFF;
	s21 =	sshll.u32 s6, $0x1;
	s3 =	sadd.s32 s4, s19  }
0x9c: {  	s7 =	simm.s32 $0x0;
	s20 =	sshll.u32 s5, $0x1;
	s5 =	sadd.s32 s21, s3  }
0x9d: {  	[timem:s7], [sflag:s22] =	dma.local [hbm:s5], s20  }
0x9e: {  	_ =	swait.ge [sflag:s22], s20  }
0x9f: {  	s4 =	ssub.s32 $0x0, s20;
	[sflag:s22] =	ssyncset.done $0x0  }
0xa0: {  	[sflag:s22] =	ssyncadd.s32 s4;
	_ =	sdelay $0x1  }
0xa1: {  	s23 =	simm.s32 $0x1B8B  }
0xa2: {  	_ =	swait.ge [sflag:s23], $0x1  }
0xa3: {  	[sflag:s23] =	ssyncset.done $0x0  }
0xa4: {  	s25 =	simm.s32 $0x1B8E;
	s24 =	sld [smem:$0x3FFE];
	[sflag:s23] =	ssyncadd.s32 $0xFFFFFFFF  }
0xa5: {  	s26 =	simm.s32 $execute0_lowered;
	[smem:$0x3FD2] =	sst s25  }
0xa6: {  	s5 =	sshll.u32 s26, $0x1;
	_ =	strace $0x80000046;
	[dreg:$0x1] =	wrdreg $0xFFFFFFFF  }
0xa7: {  	s28 =	simm.s32 $_size_execute0_lowered;
	s3 =	sadd.s32 s3, s5;
	[dreg:$0x0] =	wrdreg $0x0  }
0xa8: {  	s5 =	sshll.u32 s28, $0x1;
	[dreg:$0x2] =	wrdreg s3  }
0xa9: {  	[dreg:$0x3] =	wrdreg s5  }
0xaa: {  	[dreg:$0x4] =	wrdreg $0xC0  }
0xab: {  	_ =	task [dreg:s7], $0x5FFFF  }
0xac: {  	[dreg:$0x1] =	wrdreg $0xFFFFFFFF  }
0xad: {  	[dreg:$0x0] =	wrdreg $0x60  }
0xae: {  	[dreg:$0x2] =	wrdreg s24  }
0xaf: {  	[dreg:$0x3] =	wrdreg s2  }
0xb0: {  	[dreg:$0x4] =	wrdreg $0x0  }
0xb1: {  	[dreg:$0x5] =	wrdreg $0x40800  }
0xb2: {  	[dreg:$0x6] =	wrdreg $0x9  }
0xb3: {  	_ =	task.clear_ibuf [dreg:s7], $0x7FFFF;
	_ =	strace $0x90000046  }
0xb4: {  	s29 =	simm.s32 $0x9;
	_ =	strace $0x80000048  }
0xb5: {  	_ =	swait.ge [sflag:s29], $0x1  }
0xb6: {  	[sflag:s29] =	ssyncadd.s32 $0xFFFFFFFF  }
0xb7: {  	_ =	strace $0x90000048  }
0xb8: {  	_ =	sfence  }
0xb9: {  	s30 =	sld [smem:$0x0];
	_ =	sdelay $0x2  }
0xba: {  	s31 =	sshll.u32 s1, $0xD;
	s1 =	sshrl.u32 s1, $0x2  }
0xbb: {  	s3 =	sand.u32 $0x4000, s31;
	s1 =	sadd.s32 s1, s30  }
0xbc: {  	s0 =	sor.u32 s3, s0;
	s1 =	sshll.u32 s1, $0x11  }
0xbd: {  	s0 =	sor.u32 s1, s0  }
0xbe: {  	s0 =	sadd.s32 $0x8F2B, s0  }
0xbf: {  	[sflag:s0] =	ssyncadd.remote.s32 $0x1  }
0xc0: {  	_ =	sfence.sel $0xFFFF  }
0xc1: {  	[dreg:$0x0] =	wrdreg $0xFFFFFFFF;
	(pc) =	sbr.abs _section_cstart, $3  }
0xc2: {  	[dreg:$0x1] =	wrdreg $0xFFFFFFFF  }
0xc3: {  	_ =	task.clear_ibuf [dreg:s7], $0x2FFFF;
	_ =	strace $0x9FFFFFFF  }
0xc4: {  	(tm) =	ssettm $0x7FFFFFFF  }
0xc5: {  	_ =	shalt  }
tec
execute0_lowered:
.L_overlay_start_1:
0x0: {  	(tag) =	ssettag $0x1  }
0x1: {  	s0 =	rddreg [dreg:$0x0]  }
0x2: {  	s2 =	rddreg [dreg:$0x2]  }
0x3: {  	s3 =	rddreg [dreg:$0x3];
	s1 =	simm.s32 $0x0;
	s5 =	srdreg.scid  }
0x4: {  	s4 =	stileid.u32;
	s29 =	simm.s32 $0xA0;
	s30 =	simm.s32 $0xF3E0  }
0x5: {  	s31 =	simm.s32 $0xF5C0;
	s19 =	simm.s32 $0xF520;
	s21 =	simm.s32 $0x159C0  }
0x6: {  	s18 =	simm.s32 $0x1ACD0;
	[smem:$0x7FF] =	sst s1;
	s22 =	sadd.s32 $0x33400, s0  }
0x7: {  	s20 =	simm.s32 $0x2;
	s7 =	sadd.s32 $0x3ABE00, s0;
	s8 =	sadd.s32 $0x273400, s0  }
0x8: {  	s23 =	sadd.s32 $0x29600, s0;
	s9 =	sadd.s32 $0x2400, s0;
	s24 =	sadd.s32 $0x3ABC00, s0  }
0x9: {  	s14 =	sadd.s32 $0x8D200, s0;
	s1 =	sadd.s32 $0x4D200, s0;
	s16 =	sadd.s32 $0x3D200, s0  }
0xa: {  	s0 =	sadd.s32 $0x45200, s0;
	_ =	strace $0x80000047;
	[dreg:$0x5] =	wrdreg s22  }
0xb: {  	s5 =	sand.u32 $0x1, s5;
	s11 =	smul.u32 $0x10200, s4;
	[dreg:$0x6] =	wrdreg s23  }
0xc: {  	s13 =	smul.u32 $0x2040, s4;
	s15 =	sshll.u32 s4, $0x7;
	[dreg:$0x7] =	wrdreg s24  }
0xd: {  	s6 =	ssub.s32 $0x2, s5;
	s10 =	sshll.u32 s5, $0x4;
	p0 =	seq.s32 s5, $0x1  }
0xe: {  	s22 =	simm.s32 $0x4890;
	s23 =	simm.s32 $0x1AD50;
	s24 =	simm.s32 $0x1ED50  }
0xf: {  	s5 =	simm.s32 $0x0;
	s12 =	sshrl.u32 s6, $0x1;
	s10 =	sor.u32 s4, s10  }
0x10: {  	s25 =	sshrl.u32 s11, $0x2;
	s26 =	sshrl.u32 s13, $0x2;
	s10 =	smul.u32 $0x2710, s10  }
.Ltmp0:
0x11: {  	s14 =	smov.u32 @p0 s1;
	s16 =	smov.u32 @p0 s0;
	(pc) =	sbr.rel .LBB2_1-.Ltmp0, $4  }
0x12: {  	s0 =	simm.s32 $0xF480;
	s1 =	simm.s32 $0x109C0;
	s6 =	ssub.s32 s6, s12  }
0x13: {  	v0 =	vmov s4;
	s17 =	sadd.s32 s26, s3;
	s28 =	smax.u32 s6, $0x1;
	[dreg:$0x8] =	wrdreg s10  }
0x14: {  	v1 =	vimm.f32 $0.0e+00;
	v2 =	vimm.s32 $0x800;
	v0 =	vor.u32 $0x800, v0;
	s12 =	simm.s32 $0xFFC0;
	s10 =	sadd.s32 s25, s2;
	[dreg:$0xa] =	wrdreg s28  }
0x15: {  	v3 =	vlaneseq.u32;
	v4 =	vimm.s32 $0x0;
	v0 =	vbroadcast v0, $0x0;
	s25 =	simm.s32 $0x1;
	[dreg:$0x9] =	wrdreg s10;
	s10 =	simm.s32 $0x80  }
.LBB2_21:
0x16: {  	s5 =	rddreg [dreg:$0xb]  }
0x17: {  	s4 =	rddreg [dreg:$0xa];
	s5 =	sadd.s32 $0x1, s5  }
0x18: {  	p0 =	sne.s32 s5, s4  }
.Ltmp1:
0x19: {  	_ = 	snop;
	(pc) =	sbr.rel @!p0 .LBB2_22-.Ltmp1, $1  }
0x1a: {  	_ =	sdelay $0x3  }
.LBB2_1:
0x1b: {  	[dreg:$0xb] =	wrdreg s5  }
0x1c: {  	s13 =	simm.s32 $0x0;
	s4 =	rddreg [dreg:$0x7];
	s6 =	simm.s32 $0x163C0  }
0x1d: {  	[tilespmem:s6], [sflag:$0x2] =	stream.linear.gather [hbm4b:s4+s13], $0x80, $0x38;
	[tilespmem:$0x1F550] =	vst v63  }
0x1e: {  	_ =	swait.ge [sflag:s20], $0x80  }
0x1f: {  	[sflag:s20] =	ssyncset.done $0x0  }
0x20: {  	[sflag:s20] =	ssyncadd.s32 $0xFFFFFF80  }
0x21: {  	s28 =	simm.s32 $0x6FA0;
	s26 =	rddreg [dreg:$0x1]  }
0x22: {  	v5 =	vld [tilespmem:$0x163C0];
	[tilespmem:s28], [sflag:$0x2] =	stream.linear.gather [hbm4b:s26+s13], $0x800, $0x38  }
0x23: {  	_ =	swait.ge [sflag:s20], $0x800  }
0x24: {  	[sflag:s20] =	ssyncset.done $0x0  }
0x25: {  	s5 =	simm.s32 $0x16480;
	[sflag:s20] =	ssyncadd.s32 $0xFFFFF800  }
0x26: {  	[tilespmem:s5+$0xFFFFFFD0] =	vst v1  }
0x27: {  	[tilespmem:s5+$0xFFFFFFE0] =	vst v1  }
0x28: {  	[tilespmem:s5+$0xFFFFFFF0] =	vst v1  }
0x29: {  	[tilespmem:s5+$0x0] =	vst v1  }
0x2a: {  	[tilespmem:s5+$0x10] =	vst v1  }
0x2b: {  	[tilespmem:s5+$0x20] =	vst v1  }
0x2c: {  	[tilespmem:s5+$0x30] =	vst v1  }
0x2d: {  	s11 =	simm.s32 $0x0;
	s6 =	simm.s32 $0x40;
	[tilespmem:s5+$0xFFFFFFC0] =	vst v1  }
.LBB2_2:
0x2e: {  	p0 =	sne.s32 s6, $0x2000;
	[tilespmem:s11+$0x1A4C0] =	vst v1;
	s5 =	sadd.s32 $0x80, s5  }
0x2f: {  	[tilespmem:s5+$0xFFFFFFD0] =	vst v1  }
0x30: {  	[tilespmem:s5+$0xFFFFFFE0] =	vst v1  }
0x31: {  	[tilespmem:s5+$0xFFFFFFF0] =	vst v1  }
.Ltmp2:
0x32: {  	[tilespmem:s5+$0x0] =	vst v1;
	(pc) =	sbr.rel @p0 .LBB2_2-.Ltmp2, $4  }
0x33: {  	[tilespmem:s5+$0x10] =	vst v1  }
0x34: {  	[tilespmem:s5+$0x20] =	vst v1  }
0x35: {  	[tilespmem:s5+$0x30] =	vst v1  }
0x36: {  	s11 =	sshra.s32 s6, $0x2;
	s6 =	sadd.s32 $0x40, s6;
	[tilespmem:s5+$0xFFFFFFC0] =	vst v1  }
0x37: {  	[tilespmem:s11+$0x1A4C0] =	vst v1;
	s5 =	simm.s32 $0x0;
	s6 =	simm.s32 $0x0  }
.LBB2_4:
0x38: {  	p0 =	sne.s32 s6, $0x9C00  }
.Ltmp3:
0x39: {  	_ = 	snop;
	(pc) =	sbr.rel @p0 .LBB2_4-.Ltmp3, $3  }
0x3a: {  	_ =	sdelay $0x1  }
0x3b: {  	s11 =	sshra.s32 s6, $0x2  }
0x3c: {  	s6 =	sadd.s32 $0x40, s6;
	[tilespmem:s11+$0x4890] =	vst v2  }
0x3d: {  	s6 =	simm.s32 $0x6FA0  }
0x3e: {  	s11 =	simm.s32 $0x10;
	s4 =	rddreg [dreg:$0x5];
	v6 =	vld [tilespmem:s6+$0x0]  }
.LBB2_6:
0x3f: {  	p0 =	sne.s32 s11, $0x7F0;
	_ =	sdelay $0x3  }
.Ltmp4:
0x40: {  	(pc) =	sbr.rel @p0 .LBB2_6-.Ltmp4, $4  }
0x41: {  	_ = 	snop  }
0x42: {  	v7 =	vor.u32 s5, v3;
	s5 =	smov.u32 s11  }
0x43: {  	s6 =	sadd.s32 $0x10, s6;
	[tilespmem:v6+s22+$0x0] =	vst.idx.msk $0xffff, v7  }
0x44: {  	s11 =	sadd.s32 $0x10, s11;
	v6 =	vld [tilespmem:s6+$0x0]  }
0x45: {  	_ =	sdelay $0x6  }
0x46: {  	v7 =	vor.u32 s5, v3  }
0x47: {  	[tilespmem:v6+s22+$0x0] =	vst.idx.msk $0xffff, v7  }
0x48: {  	v6 =	vld [tilespmem:s15+$0x6FA0];
	_ =	sdelay $0x7  }
0x49: {  	v6 =	vld.idx.msk [tilespmem:v6+s22+$0x0], $0xffff;
	_ =	sdelay $0x4  }
0x4a: {  	[tilespmem:$0x1ACD0] =	vst v6  }
0x4b: {  	v6 =	vld [tilespmem:s15+$0x6FB0];
	_ =	sdelay $0x7  }
0x4c: {  	v6 =	vld.idx.msk [tilespmem:v6+s22+$0x0], $0xffff;
	_ =	sdelay $0x4  }
0x4d: {  	[tilespmem:$0x1ACE0] =	vst v6  }
0x4e: {  	v6 =	vld [tilespmem:s15+$0x6FC0];
	_ =	sdelay $0x7  }
0x4f: {  	v6 =	vld.idx.msk [tilespmem:v6+s22+$0x0], $0xffff;
	_ =	sdelay $0x4  }
0x50: {  	[tilespmem:$0x1ACF0] =	vst v6  }
0x51: {  	v6 =	vld [tilespmem:s15+$0x6FD0];
	_ =	sdelay $0x7  }
0x52: {  	v6 =	vld.idx.msk [tilespmem:v6+s22+$0x0], $0xffff;
	_ =	sdelay $0x4  }
0x53: {  	[tilespmem:$0x1AD00] =	vst v6  }
0x54: {  	v6 =	vld [tilespmem:s15+$0x6FE0];
	_ =	sdelay $0x7  }
0x55: {  	v6 =	vld.idx.msk [tilespmem:v6+s22+$0x0], $0xffff;
	_ =	sdelay $0x4  }
0x56: {  	[tilespmem:$0x1AD10] =	vst v6  }
0x57: {  	v6 =	vld [tilespmem:s15+$0x6FF0];
	_ =	sdelay $0x7  }
0x58: {  	v6 =	vld.idx.msk [tilespmem:v6+s22+$0x0], $0xffff;
	_ =	sdelay $0x4  }
0x59: {  	[tilespmem:$0x1AD20] =	vst v6  }
0x5a: {  	v6 =	vld [tilespmem:s15+$0x7000];
	_ =	sdelay $0x7  }
0x5b: {  	v6 =	vld.idx.msk [tilespmem:v6+s22+$0x0], $0xffff;
	_ =	sdelay $0x4  }
0x5c: {  	[tilespmem:$0x1AD30] =	vst v6  }
0x5d: {  	v6 =	vld [tilespmem:s15+$0x7010];
	_ =	sdelay $0x7  }
0x5e: {  	v6 =	vld.idx.msk [tilespmem:v6+s22+$0x0], $0xffff;
	_ =	sdelay $0x4  }
0x5f: {  	s6 =	simm.s32 $0x0;
	s5 =	simm.s32 $0x0;
	s11 =	simm.s32 $0x0;
	[tilespmem:$0x1AD40] =	vst v6  }
.LBB2_8:
0x60: {  	s13 =	smul.u32 $0x190, s11  }
0x61: {  	s26 =	rddreg [dreg:$0x8]  }
0x62: {  	s13 =	sadd.s32 s26, s13  }
0x63: {  	s13 =	sshrl.u32 s13, $0x3  }
0x64: {  	s28 =	simm.s32 $0xF0C0;
	s26 =	sadd.s32 s4, s13  }
0x65: {  	[tilespmem:s28], [sflag:$0x2] =	stream.linear.gather [hbm4b:s26+s6], $0x190, $0x38;
	[tilespmem:$0x1F550] =	vst v63  }
0x66: {  	_ =	swait.ge [sflag:s20], $0x190  }
0x67: {  	[sflag:s20] =	ssyncset.done $0x0;
	s28 =	rddreg [dreg:$0x6]  }
0x68: {  	[sflag:s20] =	ssyncadd.s32 $0xFFFFFE70;
	s13 =	sadd.s32 s28, s13;
	s28 =	simm.s32 $0xF250  }
0x69: {  	[tilespmem:s28], [sflag:$0x2] =	stream.linear.gather [hbm4b:s13+s6], $0x190, $0x38;
	[tilespmem:$0x1F550] =	vst v63  }
0x6a: {  	_ =	swait.ge [sflag:s20], $0x190  }
0x6b: {  	[sflag:s20] =	ssyncset.done $0x0  }
0x6c: {  	s28 =	simm.s32 $0x0;
	[sflag:s20] =	ssyncadd.s32 $0xFFFFFE70  }
0x6d: {  	v6 =	vld [tilespmem:s28+$0xF250];
	_ =	sdelay $0x7  }
0x6e: {  	v7 =	vld.idx.msk [tilespmem:v6+s22+$0x0], $0xffff  }
0x6f: {  	v8 =	vld [tilespmem:s28+$0xF0C0];
	_ =	sdelay $0x3  }
0x70: {  	vm0 =	vlt.s32 v7, $0x800  }
0x71: {  	[tilespmem:s5+$0x77A0] =	vst.msk vm0, v8;
	v8 =	vmpcnt.ones.xlane vm0  }
0x72: {  	[tilespmem:s5+$0xA000] =	vst.msk vm0, v6  }
0x73: {  	s26 =	simm.s32 $0x10;
	[tilespmem:s5+$0xC860] =	vst.msk vm0, v7;
	(v2sf) =	vpush v8, $0x0  }
0x74: {  	s13 =	simm.s32 $0x80;
	v6 =	vld [tilespmem:s26+$0xF0C0]  }
.LBB2_9:
0x75: {  	p0 =	sne.s32 s13, $0x600;
	v7 =	vld [tilespmem:s26+$0xF250];
	_ =	sdelay $0x7  }
0x76: {  	v8 =	vld.idx.msk [tilespmem:v7+s22+$0x0], $0xffff;
	_ =	sdelay $0x4  }
0x77: {  	s26 =	spop (v2sf)  }
.Ltmp5:
0x78: {  	vm0 =	vlt.s32 v8, $0x800;
	s5 =	sadd.s32 s5, s26;
	(pc) =	sbr.rel @p0 .LBB2_9-.Ltmp5, $4  }
0x79: {  	[tilespmem:s5+$0x77A0] =	vst.msk vm0, v6;
	v6 =	vmpcnt.ones.xlane vm0  }
0x7a: {  	[tilespmem:s5+$0xA000] =	vst.msk vm0, v7  }
0x7b: {  	s26 =	sshra.s32 s13, $0x2;
	[tilespmem:s5+$0xC860] =	vst.msk vm0, v8;
	(v2sf) =	vpush v6, $0x0  }
0x7c: {  	s13 =	sadd.s32 $0x40, s13;
	v6 =	vld [tilespmem:s26+$0xF0C0]  }
0x7d: {  	v7 =	vld [tilespmem:s26+$0xF250];
	_ =	sdelay $0x7  }
0x7e: {  	v8 =	vld.idx.msk [tilespmem:v7+s22+$0x0], $0xffff;
	_ =	sdelay $0x4  }
0x7f: {  	vm0 =	vlt.s32 v8, $0x800  }
0x80: {  	v9 =	vmpcnt.ones.xlane vm0;
	_ =	sdelay $0x1  }
0x81: {  	(v2sf) =	vpush v9, $0x0;
	_ =	sdelay $0x9  }
0x82: {  	s11 =	sadd.s32 $0x1, s11  }
0x83: {  	p0 =	sne.s32 s11, $0x19  }
.Ltmp6:
0x84: {  	s13 =	spop (v2sf);
	(pc) =	sbr.rel @p0 .LBB2_8-.Ltmp6, $4  }
0x85: {  	s13 =	sadd.s32 s5, s13  }
0x86: {  	[tilespmem:s13+$0x77A0] =	vst.msk vm0, v6  }
0x87: {  	[tilespmem:s13+$0xA000] =	vst.msk vm0, v7;
	s28 =	spop (v2sf)  }
0x88: {  	[tilespmem:s13+$0xC860] =	vst.msk vm0, v8;
	s5 =	sadd.s32 s13, s28  }
0x89: {  	s6 =	sadd.s32 $0x9F, s5  }
0x8a: {  	s11 =	smulhi.u32 $0x66666667, s6;
	s26 =	sshra.s32 s6, $0x1F  }
0x8b: {  	s26 =	smul.u32 $0x66666667, s26;
	_ =	sdelay $0x1  }
0x8c: {  	s11 =	sadd.s32 s26, s11  }
0x8d: {  	s26 =	sshrl.u32 s11, $0x1F;
	s11 =	sshra.s32 s11, $0x6  }
0x8e: {  	s11 =	sadd.s32 s26, s11  }
0x8f: {  	s26 =	smul.u32 $0xFFFFFF60, s11  }
0x90: {  	s4 =	ssub.s32 $0xFFFFFF61, s5  }
0x91: {  	p0 =	slt.s32 s6, $0x1;
	p1 =	sne.s32 s26, s4  }
0x92: {  	p0 =	por !p0, !p1  }
0x93: {  	s4 =	simm.s32 $0x1;
	p0 =	por !p0, !p0  }
0x94: {  	s4 =	simm.s32 @!p0 $0x0  }
0x95: {  	s26 =	ssub.s32 s11, s4  }
0x96: {  	s4 =	smul.u32 $0xA0, s26;
	_ =	sdelay $0x1  }
0x97: {  	s4 =	ssub.s32 s4, s5  }
0x98: {  	s4 =	sadd.s32 $0xF, s4  }
0x99: {  	s6 =	sand.u32 $0xF, s4  }
0x9a: {  	s11 =	sshra.s32 s4, $0x1F;
	p5 =	slt.s32 s4, $0x1;
	p6 =	sne.s32 s6, $0x0  }
0x9b: {  	s11 =	sshrl.u32 s11, $0x1C;
	p0 =	por !p5, !p6  }
0x9c: {  	s5 =	simm.s32 $0x1;
	s4 =	sadd.s32 s11, s4;
	p0 =	por !p0, !p0  }
0x9d: {  	s4 =	sshra.s32 s4, $0x4;
	s5 =	simm.s32 @!p0 $0x0  }
0x9e: {  	s11 =	ssub.s32 s4, s5  }
0x9f: {  	p0 =	slt.s32 s11, $0x1  }
.Ltmp7:
0xa0: {  	_ = 	snop;
	(pc) =	sbr.rel @p0 .LBB2_14-.Ltmp7, $1  }
0xa1: {  	_ =	sdelay $0x3  }
0xa2: {  	s4 =	sadd.s32 s13, s28  }
0xa3: {  	p0 =	seq.s32 s11, $0x1;
	s4 =	sshll.u32 s4, $0x2  }
.Ltmp8:
0xa4: {  	s4 =	sshra.s32 s4, $0x2;
	(pc) =	sbr.rel @p0 .LBB2_14-.Ltmp8, $4  }
0xa5: {  	s28 =	sadd.s32 $0x77A0, s4  }
0xa6: {  	s6 =	sadd.s32 $0xA000, s4;
	[tilespmem:s28+$0x0] =	vst v4  }
0xa7: {  	s5 =	sadd.s32 $0xC860, s4;
	[tilespmem:s6+$0x0] =	vst v4  }
0xa8: {  	s11 =	sadd.s32 $0xFFFFFFFF, s11;
	s13 =	sadd.s32 $0x10, s28;
	[tilespmem:s5+$0x0] =	vst v0  }
.LBB2_13:
0xa9: {  	[tilespmem:s13+$0x0] =	vst v4;
	s6 =	sadd.s32 $0x10, s6;
	p0 =	seq.s32 s11, $0x1  }
.Ltmp9:
0xaa: {  	s5 =	sadd.s32 $0x10, s5;
	[tilespmem:s6+$0x0] =	vst v4;
	(pc) =	sbr.rel @!p0 .LBB2_13-.Ltmp9, $2  }
0xab: {  	s11 =	sadd.s32 $0xFFFFFFFF, s11;
	[tilespmem:s5+$0x0] =	vst v0;
	_ =	sdelay $0x2  }
0xac: {  	s13 =	sadd.s32 $0x10, s13  }
.LBB2_14:
.Ltmp10:
0xad: {  	(pc) =	sbr.rel .LBB2_15-.Ltmp10, $2  }
0xae: {  	_ =	sdelay $0x2  }
0xaf: {  	s28 =	simm.s32 $0x0;
	p0 =	slt.s32 s26, $0x1  }
.LBB2_20:
0xb0: {  	[bflag:$0x0] =	sbarrier.arrive $0xFFFF  }
0xb1: {  	[tilespmem:s23], [sflag:$0x1] =	stream.indirect.gather [spmem:s2], $0x80, s18, s10, $0xb8;
	[tilespmem:$0x1F550] =	vst v63  }
0xb2: {  	_ = 	snop  }
0xb3: {  	[tilespmem:s24], [sflag:$0x1] =	stream.indirect.gather [spmem:s3], $0x10, s18, s10, $0xb8;
	[tilespmem:$0x1F550] =	vst v63  }
0xb4: {  	_ =	swait.ge [sflag:s25], $0x4000  }
0xb5: {  	[sflag:s25] =	ssyncset.done $0x0  }
0xb6: {  	s4 =	sshll.u32 s28, $0xB;
	[sflag:s25] =	ssyncadd.s32 $0xFFFFC000  }
0xb7: {  	s4 =	sor.u32 s15, s4;
	_ =	swait.ge [sflag:s25], $0x800  }
0xb8: {  	s5 =	sshll.u32 s4, $0x4;
	[sflag:s25] =	ssyncset.done $0x0  }
0xb9: {  	s6 =	simm.s32 $0x0;
	s5 =	sadd.s32 s14, s5;
	[sflag:s25] =	ssyncadd.s32 $0xFFFFF800  }
0xba: {  	[hbm4b:s5+s6] =	stream.linear.scatter [tilespmem:s23], [sflag:$0x2], $0x4000, $0x38;
	[tilespmem:$0x1F550] =	vst v63  }
0xbb: {  	_ =	swait.ge [sflag:s20], $0x4000  }
0xbc: {  	s28 =	sadd.s32 $0x1, s28;
	s4 =	sshll.u32 s4, $0x1;
	[sflag:s20] =	ssyncset.done $0x0  }
0xbd: {  	p1 =	sne.s32 s28, $0x8;
	s4 =	sadd.s32 s16, s4;
	[sflag:s20] =	ssyncadd.s32 $0xFFFFC000  }
0xbe: {  	[hbm4b:s4+s6] =	stream.linear.scatter [tilespmem:s24], [sflag:$0x2], $0x800, $0x38;
	[tilespmem:$0x1F550] =	vst v63  }
.Ltmp11:
0xbf: {  	_ =	swait.ge [sflag:s20], $0x800;
	(pc) =	sbr.rel @!p1 .LBB2_21-.Ltmp11, $3  }
0xc0: {  	[sflag:s20] =	ssyncset.done $0x0  }
0xc1: {  	[sflag:s20] =	ssyncadd.s32 $0xFFFFF800  }
0xc2: {  	[bflag:$0x0] =	sbarrier.arrive $0xFFFF;
	_ =	sdelay $0x1  }
.LBB2_15:
0xc3: {  	s4 =	rddreg [dreg:$0x9];
	s5 =	simm.s32 $0x16440  }
0xc4: {  	[spmem:s4] =	stream.linear.scatter [tilespmem:s5], [sflag:$0x2], $0x4080, $0x38;
	[tilespmem:$0x1F550] =	vst v63  }
0xc5: {  	_ =	swait.ge [sflag:s20], $0x4080  }
0xc6: {  	[sflag:s20] =	ssyncset.done $0x0  }
0xc7: {  	s13 =	simm.s32 $0x1A4C0;
	[sflag:s20] =	ssyncadd.s32 $0xFFFFBF80  }
0xc8: {  	[spmem:s17] =	stream.linear.scatter [tilespmem:s13], [sflag:$0x2], $0x810, $0x38;
	[tilespmem:$0x1F550] =	vst v63  }
.Ltmp12:
0xc9: {  	_ =	swait.ge [sflag:s20], $0x810;
	(pc) =	sbr.rel @p0 .LBB2_20-.Ltmp12, $3  }
0xca: {  	[sflag:s20] =	ssyncset.done $0x0  }
0xcb: {  	[sflag:s20] =	ssyncadd.s32 $0xFFFFF7F0  }
0xcc: {  	[bflag:$0x0] =	sbarrier.arrive $0xFFFF;
	_ =	sdelay $0x1  }
0xcd: {  	s4 =	smul.u32 $0x2710, s28;
	_ =	sdelay $0x1  }
0xce: {  	s5 =	simm.s32 $0x0;
	v6 =	vmov s4  }
.LBB2_17:
0xcf: {  	s6 =	smul.u32 $0xA0, s5;
	_ =	sdelay $0x1  }
0xd0: {  	v7 =	vld [tilespmem:s6+$0x77A0];
	_ =	sdelay $0x4  }
0xd1: {  	v7 =	vadd.s32 v6, v7  }
0xd2: {  	[tilespmem:$0xF3E0] =	vst v7  }
0xd3: {  	v7 =	vld [tilespmem:s6+$0xA000];
	_ =	sdelay $0x4  }
0xd4: {  	v7 =	vadd.s32 v6, v7  }
0xd5: {  	[tilespmem:$0xF480] =	vst v7  }
0xd6: {  	v7 =	vld [tilespmem:s6+$0xC860];
	_ =	sdelay $0x4  }
0xd7: {  	[tilespmem:$0xF520] =	vst v7  }
0xd8: {  	v7 =	vld [tilespmem:s6+$0x77B0];
	_ =	sdelay $0x4  }
0xd9: {  	v7 =	vadd.s32 v6, v7  }
0xda: {  	[tilespmem:$0xF3F0] =	vst v7  }
0xdb: {  	v7 =	vld [tilespmem:s6+$0xA010];
	_ =	sdelay $0x4  }
0xdc: {  	v7 =	vadd.s32 v6, v7  }
0xdd: {  	[tilespmem:$0xF490] =	vst v7  }
0xde: {  	v7 =	vld [tilespmem:s6+$0xC870];
	_ =	sdelay $0x4  }
0xdf: {  	[tilespmem:$0xF530] =	vst v7  }
0xe0: {  	v7 =	vld [tilespmem:s6+$0x77C0];
	_ =	sdelay $0x4  }
0xe1: {  	v7 =	vadd.s32 v6, v7  }
0xe2: {  	[tilespmem:$0xF400] =	vst v7  }
0xe3: {  	v7 =	vld [tilespmem:s6+$0xA020];
	_ =	sdelay $0x4  }
0xe4: {  	v7 =	vadd.s32 v6, v7  }
0xe5: {  	[tilespmem:$0xF4A0] =	vst v7  }
0xe6: {  	v7 =	vld [tilespmem:s6+$0xC880];
	_ =	sdelay $0x4  }
0xe7: {  	[tilespmem:$0xF540] =	vst v7  }
0xe8: {  	v7 =	vld [tilespmem:s6+$0x77D0];
	_ =	sdelay $0x4  }
0xe9: {  	v7 =	vadd.s32 v6, v7  }
0xea: {  	[tilespmem:$0xF410] =	vst v7  }
0xeb: {  	v7 =	vld [tilespmem:s6+$0xA030];
	_ =	sdelay $0x4  }
0xec: {  	v7 =	vadd.s32 v6, v7  }
0xed: {  	[tilespmem:$0xF4B0] =	vst v7  }
0xee: {  	v7 =	vld [tilespmem:s6+$0xC890];
	_ =	sdelay $0x4  }
0xef: {  	[tilespmem:$0xF550] =	vst v7  }
0xf0: {  	v7 =	vld [tilespmem:s6+$0x77E0];
	_ =	sdelay $0x4  }
0xf1: {  	v7 =	vadd.s32 v6, v7  }
0xf2: {  	[tilespmem:$0xF420] =	vst v7  }
0xf3: {  	v7 =	vld [tilespmem:s6+$0xA040];
	_ =	sdelay $0x4  }
0xf4: {  	v7 =	vadd.s32 v6, v7  }
0xf5: {  	[tilespmem:$0xF4C0] =	vst v7  }
0xf6: {  	v7 =	vld [tilespmem:s6+$0xC8A0];
	_ =	sdelay $0x4  }
0xf7: {  	[tilespmem:$0xF560] =	vst v7  }
0xf8: {  	v7 =	vld [tilespmem:s6+$0x77F0];
	_ =	sdelay $0x4  }
0xf9: {  	v7 =	vadd.s32 v6, v7  }
0xfa: {  	[tilespmem:$0xF430] =	vst v7  }
0xfb: {  	v7 =	vld [tilespmem:s6+$0xA050];
	_ =	sdelay $0x4  }
0xfc: {  	v7 =	vadd.s32 v6, v7  }
0xfd: {  	[tilespmem:$0xF4D0] =	vst v7  }
0xfe: {  	v7 =	vld [tilespmem:s6+$0xC8B0];
	_ =	sdelay $0x4  }
0xff: {  	[tilespmem:$0xF570] =	vst v7  }
0x100: {  	v7 =	vld [tilespmem:s6+$0x7800];
	_ =	sdelay $0x4  }
0x101: {  	v7 =	vadd.s32 v6, v7  }
0x102: {  	[tilespmem:$0xF440] =	vst v7  }
0x103: {  	v7 =	vld [tilespmem:s6+$0xA060];
	_ =	sdelay $0x4  }
0x104: {  	v7 =	vadd.s32 v6, v7  }
0x105: {  	[tilespmem:$0xF4E0] =	vst v7  }
0x106: {  	v7 =	vld [tilespmem:s6+$0xC8C0];
	_ =	sdelay $0x4  }
0x107: {  	[tilespmem:$0xF580] =	vst v7  }
0x108: {  	v7 =	vld [tilespmem:s6+$0x7810];
	_ =	sdelay $0x4  }
0x109: {  	v7 =	vadd.s32 v6, v7  }
0x10a: {  	[tilespmem:$0xF450] =	vst v7  }
0x10b: {  	v7 =	vld [tilespmem:s6+$0xA070];
	_ =	sdelay $0x4  }
0x10c: {  	v7 =	vadd.s32 v6, v7  }
0x10d: {  	[tilespmem:$0xF4F0] =	vst v7  }
0x10e: {  	v7 =	vld [tilespmem:s6+$0xC8D0];
	_ =	sdelay $0x4  }
0x10f: {  	[tilespmem:$0xF590] =	vst v7  }
0x110: {  	v7 =	vld [tilespmem:s6+$0x7820];
	_ =	sdelay $0x4  }
0x111: {  	v7 =	vadd.s32 v6, v7  }
0x112: {  	[tilespmem:$0xF460] =	vst v7  }
0x113: {  	v7 =	vld [tilespmem:s6+$0xA080];
	_ =	sdelay $0x4  }
0x114: {  	v7 =	vadd.s32 v6, v7  }
0x115: {  	[tilespmem:$0xF500] =	vst v7  }
0x116: {  	v7 =	vld [tilespmem:s6+$0xC8E0];
	_ =	sdelay $0x4  }
0x117: {  	[tilespmem:$0xF5A0] =	vst v7  }
0x118: {  	v7 =	vld [tilespmem:s6+$0x7830];
	_ =	sdelay $0x4  }
0x119: {  	v7 =	vadd.s32 v6, v7  }
0x11a: {  	[tilespmem:$0xF470] =	vst v7  }
0x11b: {  	v7 =	vld [tilespmem:s6+$0xA090];
	_ =	sdelay $0x4  }
0x11c: {  	v7 =	vadd.s32 v6, v7  }
0x11d: {  	[tilespmem:$0xF510] =	vst v7  }
0x11e: {  	v7 =	vld [tilespmem:s6+$0xC8F0];
	_ =	sdelay $0x4  }
0x11f: {  	[tilespmem:$0xF5B0] =	vst v7  }
0x120: {  	[tilespmem:s31], [sflag:$0x1] =	stream.indirect.gather [hbm4b:s9+s29], $0x10, s30, s29, $0xb8;
	[tilespmem:$0x1F550] =	vst v63  }
0x121: {  	_ = 	snop  }
0x122: {  	[tilespmem:s12], [sflag:$0x1] =	stream.indirect.gather [hbm4b:s7+s29], $0x10, s0, s29, $0xb8;
	[tilespmem:$0x1F550] =	vst v63  }
0x123: {  	_ = 	snop  }
0x124: {  	[tilespmem:s1], [sflag:$0x1] =	stream.indirect.gather [hbm4b:s8+s29], $0x80, s30, s29, $0xb8;
	[tilespmem:$0x1F550] =	vst v63  }
0x125: {  	_ =	swait.ge [sflag:s25], $0xA00  }
0x126: {  	[sflag:s25] =	ssyncset.done $0x0  }
0x127: {  	[sflag:s25] =	ssyncadd.s32 $0xFFFFF600  }
0x128: {  	_ =	swait.ge [sflag:s25], $0xA00  }
0x129: {  	[sflag:s25] =	ssyncset.done $0x0  }
0x12a: {  	[sflag:s25] =	ssyncadd.s32 $0xFFFFF600  }
0x12b: {  	_ =	swait.ge [sflag:s25], $0x5000  }
0x12c: {  	[sflag:s25] =	ssyncset.done $0x0  }
0x12d: {  	s4 =	simm.s32 $0x0;
	[sflag:s25] =	ssyncadd.s32 $0xFFFFB000  }
0x12e: {  	v7 =	vld [tilespmem:s4+$0xF5C0]  }
0x12f: {  	v8 =	vld [tilespmem:s4+$0xFFC0];
	_ =	sdelay $0x4  }
0x130: {  	v7 =	vadd.f32 v8, v7;
	v8 =	vadd.f32 v8, v5;
	_ =	sdelay $0x1  }
0x131: {  	v9 =	vmul.f32 $2.000000030e-01, v7;
	v10 =	vmul.f32 $2.000000030e-01, v8;
	_ =	sdelay $0x1  }
0x132: {  	v7 =	vmax.f32 v7, v9;
	v8 =	vmax.f32 v8, v10  }
0x133: {  	v7 =	vsub.f32 v7, v8;
	_ =	sdelay $0x1  }
0x134: {  	v7 =	vmul.f32 $1.442695020e+00, v7;
	_ =	sdelay $0x1  }
0x135: {  	(erf) = vpow2.f32 v7;
	_ =	sdelay $0x8  }
0x136: {  	v7 =	vpop (erf)  }
0x137: {  	s6 =	simm.s32 $0x10A00;
	[tilespmem:s4+$0x159C0] =	vst v7  }
0x138: {  	v8 =	vld [tilespmem:s6+$0x30]  }
0x139: {  	v58 =	vld [tilespmem:s6+$0x20]  }
0x13a: {  	v59 =	vld [tilespmem:s6+$0x10]  }
0x13b: {  	v11 =	vbroadcast v7, $0x7;
	v12 =	vld [tilespmem:s6+$0x0]  }
0x13c: {  	v13 =	vbroadcast v7, $0x6;
	v14 =	vld [tilespmem:s6+$0xFFFFFFF0]  }
0x13d: {  	v15 =	vbroadcast v7, $0x5;
	v17 =	vld [tilespmem:s6+$0xFFFFFFD0];
	v8 =	vmul.f32 v8, v11  }
0x13e: {  	v60 =	vbroadcast v7, $0x4;
	v16 =	vld [tilespmem:s6+$0xFFFFFFE0];
	v9 =	vmul.f32 v58, v13  }
0x13f: {  	v61 =	vbroadcast v7, $0x3;
	v18 =	vld [tilespmem:s6+$0xFFFFFFC0];
	v10 =	vmul.f32 v59, v15;
	[tilespmem:s6+$0x30] =	vst v8  }
0x140: {  	v62 =	vbroadcast v7, $0x1;
	v11 =	vmul.f32 v12, v60;
	[tilespmem:s6+$0x20] =	vst v9  }
0x141: {  	v63 =	vmul.f32 v14, v61;
	v8 =	vbroadcast v7, $0x2;
	[tilespmem:s6+$0x10] =	vst v10  }
0x142: {  	v7 =	vbroadcast v7, $0x0;
	[tilespmem:s6+$0x0] =	vst v11;
	v9 =	vmul.f32 v62, v17  }
0x143: {  	[tilespmem:s6+$0xFFFFFFF0] =	vst v63;
	v8 =	vmul.f32 v8, v16  }
0x144: {  	v7 =	vmul.f32 v7, v18;
	[tilespmem:s6+$0xFFFFFFD0] =	vst v9  }
0x145: {  	[tilespmem:s6+$0xFFFFFFE0] =	vst v8  }
0x146: {  	s13 =	simm.s32 $0x10;
	[tilespmem:s6+$0xFFFFFFC0] =	vst v7  }
0x147: {  	s11 =	simm.s32 $0x80;
	v7 =	vld [tilespmem:s13+$0xF5C0]  }
.LBB2_18:
0x148: {  	p1 =	sne.s32 s11, $0x27C0;
	v8 =	vld [tilespmem:s13+$0xFFC0];
	_ =	sdelay $0x4  }
0x149: {  	v7 =	vadd.f32 v8, v7;
	v8 =	vadd.f32 v8, v5;
	_ =	sdelay $0x1  }
0x14a: {  	v9 =	vmul.f32 $2.000000030e-01, v7;
	v10 =	vmul.f32 $2.000000030e-01, v8;
	_ =	sdelay $0x1  }
0x14b: {  	v7 =	vmax.f32 v7, v9;
	v8 =	vmax.f32 v8, v10  }
0x14c: {  	v7 =	vsub.f32 v7, v8;
	_ =	sdelay $0x1  }
0x14d: {  	v7 =	vmul.f32 $1.442695020e+00, v7;
	_ =	sdelay $0x1  }
0x14e: {  	(erf) = vpow2.f32 v7;
	_ =	sdelay $0x8  }
0x14f: {  	v7 =	vpop (erf)  }
0x150: {  	s6 =	sadd.s32 $0x80, s6;
	[tilespmem:s13+$0x159C0] =	vst v7;
	v8 =	vbroadcast v7, $0x6;
	v9 =	vbroadcast v7, $0x7  }
0x151: {  	v10 =	vbroadcast v7, $0x4;
	v11 =	vbroadcast v7, $0x5;
	v12 =	vld [tilespmem:s6+$0x30]  }
0x152: {  	v13 =	vbroadcast v7, $0x2;
	v14 =	vbroadcast v7, $0x3;
	v15 =	vld [tilespmem:s6+$0x20]  }
0x153: {  	v16 =	vbroadcast v7, $0x0;
	v7 =	vbroadcast v7, $0x1;
	v17 =	vld [tilespmem:s6+$0x10]  }
0x154: {  	v18 =	vld [tilespmem:s6+$0x0]  }
0x155: {  	v19 =	vld [tilespmem:s6+$0xFFFFFFF0]  }
0x156: {  	v20 =	vld [tilespmem:s6+$0xFFFFFFE0];
	v9 =	vmul.f32 v12, v9  }
0x157: {  	v12 =	vld [tilespmem:s6+$0xFFFFFFD0];
	v8 =	vmul.f32 v15, v8  }
0x158: {  	v15 =	vld [tilespmem:s6+$0xFFFFFFC0];
	v11 =	vmul.f32 v17, v11;
	[tilespmem:s6+$0x30] =	vst v9  }
0x159: {  	v9 =	vmul.f32 v18, v10;
	[tilespmem:s6+$0x20] =	vst v8  }
0x15a: {  	v8 =	vmul.f32 v19, v14;
	[tilespmem:s6+$0x10] =	vst v11  }
0x15b: {  	v10 =	vmul.f32 v13, v20;
	[tilespmem:s6+$0x0] =	vst v9  }
.Ltmp13:
0x15c: {  	v7 =	vmul.f32 v7, v12;
	[tilespmem:s6+$0xFFFFFFF0] =	vst v8;
	(pc) =	sbr.rel @p1 .LBB2_18-.Ltmp13, $4  }
0x15d: {  	v8 =	vmul.f32 v16, v15;
	[tilespmem:s6+$0xFFFFFFE0] =	vst v10  }
0x15e: {  	[tilespmem:s6+$0xFFFFFFD0] =	vst v7  }
0x15f: {  	s13 =	sshra.s32 s11, $0x2;
	[tilespmem:s6+$0xFFFFFFC0] =	vst v8  }
0x160: {  	s11 =	sadd.s32 $0x40, s11;
	v7 =	vld [tilespmem:s13+$0xF5C0]  }
0x161: {  	v8 =	vld [tilespmem:s13+$0xFFC0];
	_ =	sdelay $0x4  }
0x162: {  	v7 =	vadd.f32 v8, v7;
	v8 =	vadd.f32 v8, v5;
	_ =	sdelay $0x1  }
0x163: {  	v9 =	vmul.f32 $2.000000030e-01, v7;
	v10 =	vmul.f32 $2.000000030e-01, v8;
	_ =	sdelay $0x1  }
0x164: {  	v7 =	vmax.f32 v7, v9;
	v8 =	vmax.f32 v8, v10  }
0x165: {  	v7 =	vsub.f32 v7, v8;
	_ =	sdelay $0x1  }
0x166: {  	v7 =	vmul.f32 $1.442695020e+00, v7;
	_ =	sdelay $0x1  }
0x167: {  	(erf) = vpow2.f32 v7;
	_ =	sdelay $0x8  }
0x168: {  	v7 =	vpop (erf)  }
0x169: {  	s4 =	sadd.s32 $0x80, s6;
	[tilespmem:s13+$0x159C0] =	vst v7  }
0x16a: {  	v8 =	vld [tilespmem:s4+$0x30]  }
0x16b: {  	v58 =	vld [tilespmem:s4+$0x20]  }
0x16c: {  	v59 =	vld [tilespmem:s4+$0x10]  }
0x16d: {  	v11 =	vbroadcast v7, $0x7;
	v12 =	vld [tilespmem:s4+$0x0]  }
0x16e: {  	v13 =	vbroadcast v7, $0x6;
	v14 =	vld [tilespmem:s4+$0xFFFFFFF0]  }
0x16f: {  	v15 =	vbroadcast v7, $0x5;
	v17 =	vld [tilespmem:s4+$0xFFFFFFD0];
	v8 =	vmul.f32 v8, v11  }
0x170: {  	v60 =	vbroadcast v7, $0x4;
	v16 =	vld [tilespmem:s4+$0xFFFFFFE0];
	v9 =	vmul.f32 v58, v13  }
0x171: {  	v61 =	vbroadcast v7, $0x3;
	v18 =	vld [tilespmem:s4+$0xFFFFFFC0];
	v10 =	vmul.f32 v59, v15;
	[tilespmem:s4+$0x30] =	vst v8  }
0x172: {  	v62 =	vbroadcast v7, $0x1;
	v11 =	vmul.f32 v12, v60;
	[tilespmem:s4+$0x20] =	vst v9  }
0x173: {  	v63 =	vmul.f32 v14, v61;
	v8 =	vbroadcast v7, $0x2;
	[tilespmem:s4+$0x10] =	vst v10  }
0x174: {  	v7 =	vbroadcast v7, $0x0;
	[tilespmem:s4+$0x0] =	vst v11;
	v9 =	vmul.f32 v62, v17  }
0x175: {  	[tilespmem:s4+$0xFFFFFFF0] =	vst v63;
	v8 =	vmul.f32 v8, v16  }
0x176: {  	v7 =	vmul.f32 v7, v18;
	[tilespmem:s4+$0xFFFFFFD0] =	vst v9  }
0x177: {  	[tilespmem:s4+$0xFFFFFFE0] =	vst v8  }
0x178: {  	[tilespmem:s4+$0xFFFFFFC0] =	vst v7  }
0x179: {  	[spmem:s2] =	stream.indirect.scatter.add.f32 [tilespmem:s1], [sflag:$0x2], $0x80, s19, s29, $0xb8;
	[tilespmem:$0x1F550] =	vst v63  }
0x17a: {  	_ =	swait.ge [sflag:s20], $0x5000  }
0x17b: {  	s5 =	sadd.s32 $0x1, s5;
	[sflag:s20] =	ssyncset.done $0x0  }
0x17c: {  	p1 =	sne.s32 s5, s26;
	[sflag:s20] =	ssyncadd.s32 $0xFFFFB000  }
0x17d: {  	[spmem:s3] =	stream.indirect.scatter.add.f32 [tilespmem:s21], [sflag:$0x2], $0x10, s19, s29, $0xb8;
	[tilespmem:$0x1F550] =	vst v63  }
.Ltmp14:
0x17e: {  	_ = 	snop;
	(pc) =	sbr.rel @p1 .LBB2_17-.Ltmp14, $4  }
.Ltmp15:
0x17f: {  	_ = 	snop;
	(pc) =	sbr.rel @!p1 .LBB2_20-.Ltmp15, $4  }
0x180: {  	_ =	swait.ge [sflag:s20], $0xA00  }
0x181: {  	[sflag:s20] =	ssyncset.done $0x0  }
0x182: {  	[sflag:s20] =	ssyncadd.s32 $0xFFFFF600  }
0x183: {  	_ = 	snop  }
.LBB2_22:
0x184: {  	_ =	sfence.sel $0x180000  }
0x185: {  	[bflag:$0x0] =	sbarrier.arrive $0xFFFF  }
0x186: {  	_ =	strace $0x90000047  }
0x187: {  	s0 =	stileid.u32;
	[bflag:$0x2] =	sbarrier.arrive $0xFFFF  }
0x188: {  	p0 =	sne.s32 s0, $0x0;
	s0 =	rddreg [dreg:$0x4]  }
0x189: {  	s0 =	sadd.s32 @!p0 $0x100000, s0  }
0x18a: {  	[sflag:s0] =	ssyncadd.tile.s32 @!p0 $0x1;
	_ =	shalt  }
.Lfunc_end2:
_tile_overlayer_lowered:
.L_overlay_start_2:
0x18b: {  	(tag) =	ssettag $0x2  }
0x18c: {  	s0 =	rddreg [dreg:$0x0];
	s2 =	stileid.u32  }
0x18d: {  	s1 =	rddreg [dreg:$0x1];
	p0 =	sne.s32 s2, $0x0  }
0x18e: {  	s3 =	rddreg [dreg:$0x2];
	[bflag:$0x3] =	sbarrier.arrive $0xFFFF;
	s2 =	simm.s32 @!p0 $0x1C02  }
0x18f: {  	[timem:s3], [sflag:s2] =	dma.local @!p0 [hbm:s0], s1  }
0x190: {  	s0 =	simm.s32 @!p0 $0x2  }
0x191: {  	_ =	swait.ge @!p0 [sflag:s0], s1  }
0x192: {  	s1 =	ssub.s32 @!p0 $0x0, s1;
	[sflag:s0] =	ssyncset.done @!p0 $0x0  }
0x193: {  	[sflag:s0] =	ssyncadd.s32 @!p0 s1  }
0x194: {  	[bflag:$0x3] =	sbarrier.arrive $0xFFFF  }
0x195: {  	_ =	shalt  }

</sc_bundles>
